<compile_context>
chip_gen: v7x
topology: tpu7x:2x2x1
jax: 0.10.2.dev20260603
libtpu: 0.0.44.dev20260713+nightly
codegen_flags: <defaults>
</compile_context>

<pallas_src>
import functools

import jax
import jax.numpy as jnp
from jax import lax
from jax.experimental import pallas as pl
from jax.experimental.pallas import tpu as pltpu
from jax.experimental.pallas import tpu_sc as plsc

SEQ = 16384
DIM = 128
NC = 2
NS = 16
NW = NC * NS

N_A = 464
N_B = 560
CHUNKS_A = (112, 112, 112, 96)
TAIL_A = 32
CHUNKS_B = (128, 128, 128, 128)
TAIL_B = 48


def _sc_gather_partial_sums(x, emb):
  mesh = plsc.VectorSubcoreMesh(core_axis_name="c", subcore_axis_name="s")

  nv = DIM // 16

  @functools.partial(
      pl.kernel,
      mesh=mesh,
      out_type=jax.ShapeDtypeStruct((NW, DIM), jnp.float32),
      scratch_types=[
          pltpu.VMEM((N_B,), jnp.int32),
          [pltpu.VMEM((CHUNKS_B[0], DIM), jnp.float32) for _ in range(2)],
          pltpu.VMEM((TAIL_B, DIM), jnp.float32),
          pltpu.VMEM((DIM,), jnp.float32),
          [pltpu.SemaphoreType.DMA for _ in range(2)],
          pltpu.SemaphoreType.DMA,
          pltpu.SemaphoreType.DMA,
      ],
  )
  def k(x_hbm, emb_hbm, out_hbm, idx_v, bufs, tail_buf, acc_v, sems,
        idx_sem, tail_sem):
    c = lax.axis_index("c")
    s = lax.axis_index("s")
    wid = s * NC + c

    def accumulate(buf, n, acc):
      @plsc.parallel_loop(0, n, unroll=2, carry=acc)
      def final(i, a):
        return tuple(a[d] + buf[i, pl.ds(d * 16, 16)] for d in range(nv))

      return final

    def emit(chunks, tail_n, base):
      total = sum(chunks) + tail_n
      offs = [0]
      for n in chunks:
        offs.append(offs[-1] + n)
      cp_i0 = pltpu.async_copy(
          x_hbm.at[pl.ds(base, chunks[0])],
          idx_v.at[pl.ds(0, chunks[0])], idx_sem)
      cp_ir = pltpu.async_copy(
          x_hbm.at[pl.ds(base + chunks[0], total - chunks[0])],
          idx_v.at[pl.ds(chunks[0], total - chunks[0])], tail_sem)
      cp_i0.wait()
      inflight = [
          pltpu.async_copy(
              emb_hbm.at[idx_v.at[pl.ds(0, chunks[0])]],
              bufs[0].at[pl.ds(0, chunks[0])], sems[0])
      ]
      cp_ir.wait()
      inflight.append(
          pltpu.async_copy(
              emb_hbm.at[idx_v.at[pl.ds(offs[1], chunks[1])]],
              bufs[1].at[pl.ds(0, chunks[1])], sems[1]))
      tail_cp = None
      acc = tuple(jnp.zeros((16,), jnp.float32) for _ in range(nv))
      for j, nj in enumerate(chunks):
        inflight[j % 2].wait()
        if j + 2 < len(chunks):
          inflight[j % 2] = pltpu.async_copy(
              emb_hbm.at[idx_v.at[pl.ds(offs[j + 2], chunks[j + 2])]],
              bufs[j % 2].at[pl.ds(0, chunks[j + 2])], sems[j % 2])
        elif j + 2 == len(chunks):
          tail_cp = pltpu.async_copy(
              emb_hbm.at[idx_v.at[pl.ds(offs[-1], tail_n)]],
              tail_buf.at[pl.ds(0, tail_n)], tail_sem)
        acc = accumulate(bufs[j % 2], nj, acc)
      tail_cp.wait()
      acc = accumulate(tail_buf, tail_n, acc)
      for d in range(nv):
        acc_v[pl.ds(d * 16, 16)] = acc[d]
      pltpu.sync_copy(acc_v, out_hbm.at[wid])

    @pl.when(c == 0)
    def _():
      emit(CHUNKS_A, TAIL_A, s * N_A)

    @pl.when(c == 1)
    def _():
      emit(CHUNKS_B, TAIL_B, NS * N_A + s * N_B)

  return k(x, emb)


def _tc_mlp(partials, wh, bh2, wo, bo2):

  def body(p_ref, wh_ref, bh_ref, wo_ref, bo_ref, o_ref):
    embed = jnp.sum(p_ref[...], axis=0, keepdims=True) * (1.0 / SEQ)
    h = jax.lax.dot_general(
        embed, wh_ref[...], (((1,), (1,)), ((), ())),
        preferred_element_type=jnp.float32) + bh_ref[...]
    h = jnp.tanh(h)
    o = jax.lax.dot_general(
        h, wo_ref[...], (((1,), (1,)), ((), ())),
        preferred_element_type=jnp.float32) + bo_ref[...]
    m = jnp.max(o, axis=1, keepdims=True)
    e = jnp.exp(o - m)
    o_ref[...] = e / jnp.sum(e, axis=1, keepdims=True)

  return pl.pallas_call(
      body,
      out_shape=jax.ShapeDtypeStruct((1, 20), jnp.float32),
  )(partials, wh, bh2, wo, bo2)


@jax.jit
def kernel(X, emb, Wh, bh, Wo, bo):
  partials = _sc_gather_partial_sums(X.astype(jnp.int32), emb)
  out = _tc_mlp(partials, Wh, bh.reshape(1, -1), Wo, bo.reshape(1, -1))
  return out.reshape(20)

# --- scband reference (transcript-rebuilt; emitter-appended) ---
"""Pipeline reference for scband-ffnn-19146964205642 (READ-ONLY COPY).

The authoritative reference and input builder live on the scoring server;
editing this copy changes nothing except your own understanding.
"""

import jax, jax.numpy as jnp
import numpy as np

VOCAB_SIZE = 1000000
DIM_EMB = 128
HID = 32
NUM_CLASSES = 20
SEQ = 16384


def setup_inputs(seed: int = 0) -> dict:
    key = jax.random.key(seed)
    k1, k2, k3, k4, k5, k6 = jax.random.split(key, 6)
    X = jax.random.randint(k1, (SEQ,), 0, VOCAB_SIZE, dtype=jnp.int64 if jax.config.jax_enable_x64 else jnp.int32)
    emb = jax.random.normal(k2, (VOCAB_SIZE, DIM_EMB), dtype=jnp.float32)
    # xavier_uniform init for hidden and output (matches nn.init.xavier_uniform_)
    lim_h = float(np.sqrt(6.0 / (DIM_EMB + HID)))
    Wh = jax.random.uniform(k3, (HID, DIM_EMB), minval=-lim_h, maxval=lim_h, dtype=jnp.float32)
    bh = jnp.zeros((HID,), dtype=jnp.float32)
    lim_o = float(np.sqrt(6.0 / (HID + NUM_CLASSES)))
    Wo = jax.random.uniform(k4, (NUM_CLASSES, HID), minval=-lim_o, maxval=lim_o, dtype=jnp.float32)
    bo = jnp.zeros((NUM_CLASSES,), dtype=jnp.float32)
    return {"X": X, "emb": emb, "Wh": Wh, "bh": bh, "Wo": Wo, "bo": bo}


def reference(X, emb, Wh, bh, Wo, bo):
    # embed = self.embedding(X)  -> gather rows
    embed = jnp.take(emb, X, axis=0)            # [SEQ, DIM_EMB]
    # embed = sum(embed, 0) / X.size()[0]  (python sum over dim 0 == tensor sum over axis 0)
    embed = jnp.sum(embed, axis=0) / X.shape[0]  # [DIM_EMB]
    # hidden = tanh(self.hidden(embed))
    hidden = jnp.tanh(embed @ Wh.T + bh)         # [HID]
    # output1 = self.output(hidden)
    output1 = hidden @ Wo.T + bo                 # [NUM_CLASSES]
    # softmax over dim=0
    return jax.nn.softmax(output1, axis=0)

if __name__ == "__main__":
    import jax
    _d = setup_inputs()
    print(jax.jit(kernel)(*tuple(_d.values())))

</pallas_src>

<mosaic_0001>
#map = affine_map<(d0, d1) -> (0)>
#map1 = affine_map<(d0, d1) -> (0, 0)>
module attributes {stable_mosaic.version = 14 : i64} {
  func.func @k(%arg0: i32, %arg1: i32, %arg2: memref<16384xi32, #tpu.memory_space<hbm>>, %arg3: memref<1000000x128xf32, #tpu.memory_space<hbm>>, %arg4: memref<32x128xf32, #tpu.memory_space<hbm>>, %arg5: memref<560xi32, #tpu.memory_space<vmem>>, %arg6: memref<128x128xf32, #tpu.memory_space<vmem>>, %arg7: memref<128x128xf32, #tpu.memory_space<vmem>>, %arg8: memref<48x128xf32, #tpu.memory_space<vmem>>, %arg9: memref<128xf32, #tpu.memory_space<vmem>>, %arg10: memref<!tpu.dma_semaphore, #tpu.memory_space<semaphore_mem>>, %arg11: memref<!tpu.dma_semaphore, #tpu.memory_space<semaphore_mem>>, %arg12: memref<!tpu.dma_semaphore, #tpu.memory_space<semaphore_mem>>, %arg13: memref<!tpu.dma_semaphore, #tpu.memory_space<semaphore_mem>>) attributes {dimension_semantics = [#tpu.dimension_semantics<core_parallel>, #tpu.dimension_semantics<subcore_parallel>], iteration_bounds = array<i64: 2, 16>, scalar_prefetch = 0 : i64, scratch_operands = 9 : i64, tpu.core_type = #tpu.core_type<sc_vector_subcore>, window_params = [{transform_indices = #map}, {transform_indices = #map1}, {transform_indices = #map1}]} {
    %mul3A = arith.constant 2 : i32
    %mul3A_0 = arith.muli %arg1, %mul3A : i32
    %add3A = arith.addi %mul3A_0, %arg0 : i32
    %eq3A = arith.constant 0 : i32
    %eq3A_1 = arith.cmpi eq, %arg0, %eq3A : i32
    %convert_element_type3A = arith.extui %eq3A_1 : i1 to i32
    %cond3A = arith.constant 0 : i32
    %cond3A_2 = arith.cmpi ne, %convert_element_type3A, %cond3A : i32
    scf.if %cond3A_2 {
      %mul3A_8 = arith.constant 464 : i32
      %mul3A_9 = arith.muli %arg1, %mul3A_8 : i32
      %dma_start3A = arith.constant 0 : i32
      %dma_start3A_10 = tpu.memref_slice %arg5[%dma_start3A] : memref<560xi32, #tpu.memory_space<vmem>> -> memref<112xi32, #tpu.memory_space<vmem>>
      %dma_start3A_11 = tpu.memref_slice %arg2[%mul3A_9] : memref<16384xi32, #tpu.memory_space<hbm>> -> memref<112xi32, #tpu.memory_space<hbm>>
      %dma_start3A_12 = arith.constant 0 : i32
      %dma_start3A_13 = tpu.memref_slice %arg5[%dma_start3A_12] : memref<560xi32, #tpu.memory_space<vmem>> -> memref<112xi32, #tpu.memory_space<vmem>>
      %dma_start3A_14 = tpu.memref_slice %arg2[%mul3A_9] : memref<16384xi32, #tpu.memory_space<hbm>> -> memref<112xi32, #tpu.memory_space<hbm>>
      tpu.enqueue_dma source(%dma_start3A_14 : memref<112xi32, #tpu.memory_space<hbm>>) target(%dma_start3A_13 : memref<112xi32, #tpu.memory_space<vmem>>) target_semaphore(%arg12 : memref<!tpu.dma_semaphore, #tpu.memory_space<semaphore_mem>>)
      %add3A_15 = arith.constant 112 : i32
      %add3A_16 = arith.addi %mul3A_9, %add3A_15 : i32
      %dma_start3A_17 = arith.constant 112 : i32
      %dma_start3A_18 = tpu.memref_slice %arg5[%dma_start3A_17] : memref<560xi32, #tpu.memory_space<vmem>> -> memref<352xi32, #tpu.memory_space<vmem>>
      %dma_start3A_19 = tpu.memref_slice %arg2[%add3A_16] : memref<16384xi32, #tpu.memory_space<hbm>> -> memref<352xi32, #tpu.memory_space<hbm>>
      %dma_start3A_20 = arith.constant 112 : i32
      %dma_start3A_21 = tpu.memref_slice %arg5[%dma_start3A_20] : memref<560xi32, #tpu.memory_space<vmem>> -> memref<352xi32, #tpu.memory_space<vmem>>
      %dma_start3A_22 = tpu.memref_slice %arg2[%add3A_16] : memref<16384xi32, #tpu.memory_space<hbm>> -> memref<352xi32, #tpu.memory_space<hbm>>
      tpu.enqueue_dma source(%dma_start3A_22 : memref<352xi32, #tpu.memory_space<hbm>>) target(%dma_start3A_21 : memref<352xi32, #tpu.memory_space<vmem>>) target_semaphore(%arg13 : memref<!tpu.dma_semaphore, #tpu.memory_space<semaphore_mem>>)
      %dma_wait3A = arith.constant 0 : i32
      %dma_wait3A_23 = tpu.memref_slice %arg5[%dma_wait3A] : memref<560xi32, #tpu.memory_space<vmem>> -> memref<112xi32, #tpu.memory_space<vmem>>
      %dma_wait3A_24 = tpu.memref_slice %arg2[%mul3A_9] : memref<16384xi32, #tpu.memory_space<hbm>> -> memref<112xi32, #tpu.memory_space<hbm>>
      %dma_wait3A_25 = arith.constant 0 : i32
      %dma_wait3A_26 = tpu.memref_slice %arg5[%dma_wait3A_25] : memref<560xi32, #tpu.memory_space<vmem>> -> memref<112xi32, #tpu.memory_space<vmem>>
      %dma_wait3A_27 = tpu.memref_slice %arg2[%mul3A_9] : memref<16384xi32, #tpu.memory_space<hbm>> -> memref<112xi32, #tpu.memory_space<hbm>>
      tpu.wait_dma2 semaphore(%arg12 : memref<!tpu.dma_semaphore, #tpu.memory_space<semaphore_mem>>) src(%dma_wait3A_27 : memref<112xi32, #tpu.memory_space<hbm>>) dst(%dma_wait3A_26 : memref<112xi32, #tpu.memory_space<vmem>>)
      %dma_start3A_28 = arith.constant 0 : i32
      %dma_start3A_29 = arith.constant 0 : i32
      %dma_start3A_30 = tpu.memref_slice %arg6[%dma_start3A_28, %dma_start3A_29] : memref<128x128xf32, #tpu.memory_space<vmem>> -> memref<112x128xf32, #tpu.memory_space<vmem>>
      %dma_start3A_31 = arith.constant 0 : i32
      %dma_start3A_32 = tpu.memref_slice %arg5[%dma_start3A_31] : memref<560xi32, #tpu.memory_space<vmem>> -> memref<112xi32, #tpu.memory_space<vmem>>
      %dma_start3A_33 = arith.constant 0 : i32
      %dma_start3A_34 = arith.constant 0 : i32
      %dma_start3A_35 = tpu.memref_slice %arg3[%dma_start3A_33, %dma_start3A_34] : memref<1000000x128xf32, #tpu.memory_space<hbm>> -> memref<1000000x128xf32, #tpu.memory_space<hbm>>
      tpu.enqueue_indirect_dma source(%dma_start3A_35 : memref<1000000x128xf32, #tpu.memory_space<hbm>>) target(%dma_start3A_30 : memref<112x128xf32, #tpu.memory_space<vmem>>) offsets(%dma_start3A_32 : memref<112xi32, #tpu.memory_space<vmem>>) semaphore(%arg10 : memref<!tpu.dma_semaphore, #tpu.memory_space<semaphore_mem>>)
      %dma_wait3A_36 = arith.constant 112 : i32
      %dma_wait3A_37 = tpu.memref_slice %arg5[%dma_wait3A_36] : memref<560xi32, #tpu.memory_space<vmem>> -> memref<352xi32, #tpu.memory_space<vmem>>
      %dma_wait3A_38 = tpu.memref_slice %arg2[%add3A_16] : memref<16384xi32, #tpu.memory_space<hbm>> -> memref<352xi32, #tpu.memory_space<hbm>>
      %dma_wait3A_39 = arith.constant 112 : i32
      %dma_wait3A_40 = tpu.memref_slice %arg5[%dma_wait3A_39] : memref<560xi32, #tpu.memory_space<vmem>> -> memref<352xi32, #tpu.memory_space<vmem>>
      %dma_wait3A_41 = tpu.memref_slice %arg2[%add3A_16] : memref<16384xi32, #tpu.memory_space<hbm>> -> memref<352xi32, #tpu.memory_space<hbm>>
      tpu.wait_dma2 semaphore(%arg13 : memref<!tpu.dma_semaphore, #tpu.memory_space<semaphore_mem>>) src(%dma_wait3A_41 : memref<352xi32, #tpu.memory_space<hbm>>) dst(%dma_wait3A_40 : memref<352xi32, #tpu.memory_space<vmem>>)
      %dma_start3A_42 = arith.constant 0 : i32
      %dma_start3A_43 = arith.constant 0 : i32
      %dma_start3A_44 = tpu.memref_slice %arg7[%dma_start3A_42, %dma_start3A_43] : memref<128x128xf32, #tpu.memory_space<vmem>> -> memref<112x128xf32, #tpu.memory_space<vmem>>
      %dma_start3A_45 = arith.constant 112 : i32
      %dma_start3A_46 = tpu.memref_slice %arg5[%dma_start3A_45] : memref<560xi32, #tpu.memory_space<vmem>> -> memref<112xi32, #tpu.memory_space<vmem>>
      %dma_start3A_47 = arith.constant 0 : i32
      %dma_start3A_48 = arith.constant 0 : i32
      %dma_start3A_49 = tpu.memref_slice %arg3[%dma_start3A_47, %dma_start3A_48] : memref<1000000x128xf32, #tpu.memory_space<hbm>> -> memref<1000000x128xf32, #tpu.memory_space<hbm>>
      tpu.enqueue_indirect_dma source(%dma_start3A_49 : memref<1000000x128xf32, #tpu.memory_space<hbm>>) target(%dma_start3A_44 : memref<112x128xf32, #tpu.memory_space<vmem>>) offsets(%dma_start3A_46 : memref<112xi32, #tpu.memory_space<vmem>>) semaphore(%arg11 : memref<!tpu.dma_semaphore, #tpu.memory_space<semaphore_mem>>)
      %broadcast_in_dim3A = arith.constant 0.000000e+00 : f32
      %broadcast_in_dim3A_50 = vector.broadcast %broadcast_in_dim3A : f32 to vector<16xf32>
      %broadcast_in_dim3A_51 = arith.constant 0.000000e+00 : f32
      %broadcast_in_dim3A_52 = vector.broadcast %broadcast_in_dim3A_51 : f32 to vector<16xf32>
      %broadcast_in_dim3A_53 = arith.constant 0.000000e+00 : f32
      %broadcast_in_dim3A_54 = vector.broadcast %broadcast_in_dim3A_53 : f32 to vector<16xf32>
      %broadcast_in_dim3A_55 = arith.constant 0.000000e+00 : f32
      %broadcast_in_dim3A_56 = vector.broadcast %broadcast_in_dim3A_55 : f32 to vector<16xf32>
      %broadcast_in_dim3A_57 = arith.constant 0.000000e+00 : f32
      %broadcast_in_dim3A_58 = vector.broadcast %broadcast_in_dim3A_57 : f32 to vector<16xf32>
      %broadcast_in_dim3A_59 = arith.constant 0.000000e+00 : f32
      %broadcast_in_dim3A_60 = vector.broadcast %broadcast_in_dim3A_59 : f32 to vector<16xf32>
      %broadcast_in_dim3A_61 = arith.constant 0.000000e+00 : f32
      %broadcast_in_dim3A_62 = vector.broadcast %broadcast_in_dim3A_61 : f32 to vector<16xf32>
      %broadcast_in_dim3A_63 = arith.constant 0.000000e+00 : f32
      %broadcast_in_dim3A_64 = vector.broadcast %broadcast_in_dim3A_63 : f32 to vector<16xf32>
      %dma_wait3A_65 = arith.constant 0 : i32
      %dma_wait3A_66 = arith.constant 0 : i32
      %dma_wait3A_67 = tpu.memref_slice %arg6[%dma_wait3A_65, %dma_wait3A_66] : memref<128x128xf32, #tpu.memory_space<vmem>> -> memref<112x128xf32, #tpu.memory_space<vmem>>
      %dma_wait3A_68 = arith.constant 0 : i32
      %dma_wait3A_69 = tpu.memref_slice %arg5[%dma_wait3A_68] : memref<560xi32, #tpu.memory_space<vmem>> -> memref<112xi32, #tpu.memory_space<vmem>>
      %dma_wait3A_70 = arith.constant 0 : i32
      %dma_wait3A_71 = arith.constant 0 : i32
      %dma_wait3A_72 = tpu.memref_slice %arg3[%dma_wait3A_70, %dma_wait3A_71] : memref<1000000x128xf32, #tpu.memory_space<hbm>> -> memref<1000000x128xf32, #tpu.memory_space<hbm>>
      tpu.wait_indirect_dma semaphore(%arg10 : memref<!tpu.dma_semaphore, #tpu.memory_space<semaphore_mem>>) src(%dma_wait3A_72 : memref<1000000x128xf32, #tpu.memory_space<hbm>>) dst(%dma_wait3A_67 : memref<112x128xf32, #tpu.memory_space<vmem>>)
      %dma_start3A_73 = arith.constant 0 : i32
      %dma_start3A_74 = arith.constant 0 : i32
      %dma_start3A_75 = tpu.memref_slice %arg6[%dma_start3A_73, %dma_start3A_74] : memref<128x128xf32, #tpu.memory_space<vmem>> -> memref<112x128xf32, #tpu.memory_space<vmem>>
      %dma_start3A_76 = arith.constant 224 : i32
      %dma_start3A_77 = tpu.memref_slice %arg5[%dma_start3A_76] : memref<560xi32, #tpu.memory_space<vmem>> -> memref<112xi32, #tpu.memory_space<vmem>>
      %dma_start3A_78 = arith.constant 0 : i32
      %dma_start3A_79 = arith.constant 0 : i32
      %dma_start3A_80 = tpu.memref_slice %arg3[%dma_start3A_78, %dma_start3A_79] : memref<1000000x128xf32, #tpu.memory_space<hbm>> -> memref<1000000x128xf32, #tpu.memory_space<hbm>>
      tpu.enqueue_indirect_dma source(%dma_start3A_80 : memref<1000000x128xf32, #tpu.memory_space<hbm>>) target(%dma_start3A_75 : memref<112x128xf32, #tpu.memory_space<vmem>>) offsets(%dma_start3A_77 : memref<112xi32, #tpu.memory_space<vmem>>) semaphore(%arg10 : memref<!tpu.dma_semaphore, #tpu.memory_space<semaphore_mem>>)
      %parallel_loop3A = arith.constant 0 : i32
      %parallel_loop3A_81 = arith.constant 112 : i32
      %parallel_loop3A_82 = arith.constant 1 : i32
      %parallel_loop3A_83:8 = scf.for %parallel_loop3A_179 = %parallel_loop3A to %parallel_loop3A_81 step %parallel_loop3A_82 iter_args(%parallel_loop3A_180 = %broadcast_in_dim3A_50, %parallel_loop3A_181 = %broadcast_in_dim3A_52, %parallel_loop3A_182 = %broadcast_in_dim3A_54, %parallel_loop3A_183 = %broadcast_in_dim3A_56, %parallel_loop3A_184 = %broadcast_in_dim3A_58, %parallel_loop3A_185 = %broadcast_in_dim3A_60, %parallel_loop3A_186 = %broadcast_in_dim3A_62, %parallel_loop3A_187 = %broadcast_in_dim3A_64) -> (vector<16xf32>, vector<16xf32>, vector<16xf32>, vector<16xf32>, vector<16xf32>, vector<16xf32>, vector<16xf32>, vector<16xf32>)  : i32 {
        %parallel_loop3A_188 = arith.index_cast %parallel_loop3A_179 : i32 to index
        %parallel_loop3A_189 = arith.constant 0 : index
        %parallel_loop3A_190 = tpu.vector_load %arg6[%parallel_loop3A_188, %parallel_loop3A_189] {strides = array<i32>} : memref<128x128xf32, #tpu.memory_space<vmem>>, vector<1x16xf32>,
        %parallel_loop3A_191 = vector.shape_cast %parallel_loop3A_190 : vector<1x16xf32> to vector<16xf32>
        %parallel_loop3A_192 = arith.addf %parallel_loop3A_180, %parallel_loop3A_191 : vector<16xf32>
        %parallel_loop3A_193 = arith.index_cast %parallel_loop3A_179 : i32 to index
        %parallel_loop3A_194 = arith.constant 16 : index
        %parallel_loop3A_195 = tpu.vector_load %arg6[%parallel_loop3A_193, %parallel_loop3A_194] {strides = array<i32>} : memref<128x128xf32, #tpu.memory_space<vmem>>, vector<1x16xf32>,
        %parallel_loop3A_196 = vector.shape_cast %parallel_loop3A_195 : vector<1x16xf32> to vector<16xf32>
        %parallel_loop3A_197 = arith.addf %parallel_loop3A_181, %parallel_loop3A_196 : vector<16xf32>
        %parallel_loop3A_198 = arith.index_cast %parallel_loop3A_179 : i32 to index
        %parallel_loop3A_199 = arith.constant 32 : index
        %parallel_loop3A_200 = tpu.vector_load %arg6[%parallel_loop3A_198, %parallel_loop3A_199] {strides = array<i32>} : memref<128x128xf32, #tpu.memory_space<vmem>>, vector<1x16xf32>,
        %parallel_loop3A_201 = vector.shape_cast %parallel_loop3A_200 : vector<1x16xf32> to vector<16xf32>
        %parallel_loop3A_202 = arith.addf %parallel_loop3A_182, %parallel_loop3A_201 : vector<16xf32>
        %parallel_loop3A_203 = arith.index_cast %parallel_loop3A_179 : i32 to index
        %parallel_loop3A_204 = arith.constant 48 : index
        %parallel_loop3A_205 = tpu.vector_load %arg6[%parallel_loop3A_203, %parallel_loop3A_204] {strides = array<i32>} : memref<128x128xf32, #tpu.memory_space<vmem>>, vector<1x16xf32>,
        %parallel_loop3A_206 = vector.shape_cast %parallel_loop3A_205 : vector<1x16xf32> to vector<16xf32>
        %parallel_loop3A_207 = arith.addf %parallel_loop3A_183, %parallel_loop3A_206 : vector<16xf32>
        %parallel_loop3A_208 = arith.index_cast %parallel_loop3A_179 : i32 to index
        %parallel_loop3A_209 = arith.constant 64 : index
        %parallel_loop3A_210 = tpu.vector_load %arg6[%parallel_loop3A_208, %parallel_loop3A_209] {strides = array<i32>} : memref<128x128xf32, #tpu.memory_space<vmem>>, vector<1x16xf32>,
        %parallel_loop3A_211 = vector.shape_cast %parallel_loop3A_210 : vector<1x16xf32> to vector<16xf32>
        %parallel_loop3A_212 = arith.addf %parallel_loop3A_184, %parallel_loop3A_211 : vector<16xf32>
        %parallel_loop3A_213 = arith.index_cast %parallel_loop3A_179 : i32 to index
        %parallel_loop3A_214 = arith.constant 80 : index
        %parallel_loop3A_215 = tpu.vector_load %arg6[%parallel_loop3A_213, %parallel_loop3A_214] {strides = array<i32>} : memref<128x128xf32, #tpu.memory_space<vmem>>, vector<1x16xf32>,
        %parallel_loop3A_216 = vector.shape_cast %parallel_loop3A_215 : vector<1x16xf32> to vector<16xf32>
        %parallel_loop3A_217 = arith.addf %parallel_loop3A_185, %parallel_loop3A_216 : vector<16xf32>
        %parallel_loop3A_218 = arith.index_cast %parallel_loop3A_179 : i32 to index
        %parallel_loop3A_219 = arith.constant 96 : index
        %parallel_loop3A_220 = tpu.vector_load %arg6[%parallel_loop3A_218, %parallel_loop3A_219] {strides = array<i32>} : memref<128x128xf32, #tpu.memory_space<vmem>>, vector<1x16xf32>,
        %parallel_loop3A_221 = vector.shape_cast %parallel_loop3A_220 : vector<1x16xf32> to vector<16xf32>
        %parallel_loop3A_222 = arith.addf %parallel_loop3A_186, %parallel_loop3A_221 : vector<16xf32>
        %parallel_loop3A_223 = arith.index_cast %parallel_loop3A_179 : i32 to index
        %parallel_loop3A_224 = arith.constant 112 : index
        %parallel_loop3A_225 = tpu.vector_load %arg6[%parallel_loop3A_223, %parallel_loop3A_224] {strides = array<i32>} : memref<128x128xf32, #tpu.memory_space<vmem>>, vector<1x16xf32>,
        %parallel_loop3A_226 = vector.shape_cast %parallel_loop3A_225 : vector<1x16xf32> to vector<16xf32>
        %parallel_loop3A_227 = arith.addf %parallel_loop3A_187, %parallel_loop3A_226 : vector<16xf32>
        scf.yield %parallel_loop3A_192, %parallel_loop3A_197, %parallel_loop3A_202, %parallel_loop3A_207, %parallel_loop3A_212, %parallel_loop3A_217, %parallel_loop3A_222, %parallel_loop3A_227 : vector<16xf32>, vector<16xf32>, vector<16xf32>, vector<16xf32>, vector<16xf32>, vector<16xf32>, vector<16xf32>, vector<16xf32>
      } {sc.loop_unroll_factor = 2 : i64, sc.parallel_access}
      %dma_wait3A_84 = arith.constant 0 : i32
      %dma_wait3A_85 = arith.constant 0 : i32
      %dma_wait3A_86 = tpu.memref_slice %arg7[%dma_wait3A_84, %dma_wait3A_85] : memref<128x128xf32, #tpu.memory_space<vmem>> -> memref<112x128xf32, #tpu.memory_space<vmem>>
      %dma_wait3A_87 = arith.constant 112 : i32
      %dma_wait3A_88 = tpu.memref_slice %arg5[%dma_wait3A_87] : memref<560xi32, #tpu.memory_space<vmem>> -> memref<112xi32, #tpu.memory_space<vmem>>
      %dma_wait3A_89 = arith.constant 0 : i32
      %dma_wait3A_90 = arith.constant 0 : i32
      %dma_wait3A_91 = tpu.memref_slice %arg3[%dma_wait3A_89, %dma_wait3A_90] : memref<1000000x128xf32, #tpu.memory_space<hbm>> -> memref<1000000x128xf32, #tpu.memory_space<hbm>>
      tpu.wait_indirect_dma semaphore(%arg11 : memref<!tpu.dma_semaphore, #tpu.memory_space<semaphore_mem>>) src(%dma_wait3A_91 : memref<1000000x128xf32, #tpu.memory_space<hbm>>) dst(%dma_wait3A_86 : memref<112x128xf32, #tpu.memory_space<vmem>>)
      %dma_start3A_92 = arith.constant 0 : i32
      %dma_start3A_93 = arith.constant 0 : i32
      %dma_start3A_94 = tpu.memref_slice %arg7[%dma_start3A_92, %dma_start3A_93] : memref<128x128xf32, #tpu.memory_space<vmem>> -> memref<96x128xf32, #tpu.memory_space<vmem>>
      %dma_start3A_95 = arith.constant 336 : i32
      %dma_start3A_96 = tpu.memref_slice %arg5[%dma_start3A_95] : memref<560xi32, #tpu.memory_space<vmem>> -> memref<96xi32, #tpu.memory_space<vmem>>
      %dma_start3A_97 = arith.constant 0 : i32
      %dma_start3A_98 = arith.constant 0 : i32
      %dma_start3A_99 = tpu.memref_slice %arg3[%dma_start3A_97, %dma_start3A_98] : memref<1000000x128xf32, #tpu.memory_space<hbm>> -> memref<1000000x128xf32, #tpu.memory_space<hbm>>
      tpu.enqueue_indirect_dma source(%dma_start3A_99 : memref<1000000x128xf32, #tpu.memory_space<hbm>>) target(%dma_start3A_94 : memref<96x128xf32, #tpu.memory_space<vmem>>) offsets(%dma_start3A_96 : memref<96xi32, #tpu.memory_space<vmem>>) semaphore(%arg11 : memref<!tpu.dma_semaphore, #tpu.memory_space<semaphore_mem>>)
      %parallel_loop3A_100 = arith.constant 0 : i32
      %parallel_loop3A_101 = arith.constant 112 : i32
      %parallel_loop3A_102 = arith.constant 1 : i32
      %parallel_loop3A_103:8 = scf.for %parallel_loop3A_179 = %parallel_loop3A_100 to %parallel_loop3A_101 step %parallel_loop3A_102 iter_args(%parallel_loop3A_180 = %parallel_loop3A_83#0, %parallel_loop3A_181 = %parallel_loop3A_83#1, %parallel_loop3A_182 = %parallel_loop3A_83#2, %parallel_loop3A_183 = %parallel_loop3A_83#3, %parallel_loop3A_184 = %parallel_loop3A_83#4, %parallel_loop3A_185 = %parallel_loop3A_83#5, %parallel_loop3A_186 = %parallel_loop3A_83#6, %parallel_loop3A_187 = %parallel_loop3A_83#7) -> (vector<16xf32>, vector<16xf32>, vector<16xf32>, vector<16xf32>, vector<16xf32>, vector<16xf32>, vector<16xf32>, vector<16xf32>)  : i32 {
        %parallel_loop3A_188 = arith.index_cast %parallel_loop3A_179 : i32 to index
        %parallel_loop3A_189 = arith.constant 0 : index
        %parallel_loop3A_190 = tpu.vector_load %arg7[%parallel_loop3A_188, %parallel_loop3A_189] {strides = array<i32>} : memref<128x128xf32, #tpu.memory_space<vmem>>, vector<1x16xf32>,
        %parallel_loop3A_191 = vector.shape_cast %parallel_loop3A_190 : vector<1x16xf32> to vector<16xf32>
        %parallel_loop3A_192 = arith.addf %parallel_loop3A_180, %parallel_loop3A_191 : vector<16xf32>
        %parallel_loop3A_193 = arith.index_cast %parallel_loop3A_179 : i32 to index
        %parallel_loop3A_194 = arith.constant 16 : index
        %parallel_loop3A_195 = tpu.vector_load %arg7[%parallel_loop3A_193, %parallel_loop3A_194] {strides = array<i32>} : memref<128x128xf32, #tpu.memory_space<vmem>>, vector<1x16xf32>,
        %parallel_loop3A_196 = vector.shape_cast %parallel_loop3A_195 : vector<1x16xf32> to vector<16xf32>
        %parallel_loop3A_197 = arith.addf %parallel_loop3A_181, %parallel_loop3A_196 : vector<16xf32>
        %parallel_loop3A_198 = arith.index_cast %parallel_loop3A_179 : i32 to index
        %parallel_loop3A_199 = arith.constant 32 : index
        %parallel_loop3A_200 = tpu.vector_load %arg7[%parallel_loop3A_198, %parallel_loop3A_199] {strides = array<i32>} : memref<128x128xf32, #tpu.memory_space<vmem>>, vector<1x16xf32>,
        %parallel_loop3A_201 = vector.shape_cast %parallel_loop3A_200 : vector<1x16xf32> to vector<16xf32>
        %parallel_loop3A_202 = arith.addf %parallel_loop3A_182, %parallel_loop3A_201 : vector<16xf32>
        %parallel_loop3A_203 = arith.index_cast %parallel_loop3A_179 : i32 to index
        %parallel_loop3A_204 = arith.constant 48 : index
        %parallel_loop3A_205 = tpu.vector_load %arg7[%parallel_loop3A_203, %parallel_loop3A_204] {strides = array<i32>} : memref<128x128xf32, #tpu.memory_space<vmem>>, vector<1x16xf32>,
        %parallel_loop3A_206 = vector.shape_cast %parallel_loop3A_205 : vector<1x16xf32> to vector<16xf32>
        %parallel_loop3A_207 = arith.addf %parallel_loop3A_183, %parallel_loop3A_206 : vector<16xf32>
        %parallel_loop3A_208 = arith.index_cast %parallel_loop3A_179 : i32 to index
        %parallel_loop3A_209 = arith.constant 64 : index
        %parallel_loop3A_210 = tpu.vector_load %arg7[%parallel_loop3A_208, %parallel_loop3A_209] {strides = array<i32>} : memref<128x128xf32, #tpu.memory_space<vmem>>, vector<1x16xf32>,
        %parallel_loop3A_211 = vector.shape_cast %parallel_loop3A_210 : vector<1x16xf32> to vector<16xf32>
        %parallel_loop3A_212 = arith.addf %parallel_loop3A_184, %parallel_loop3A_211 : vector<16xf32>
        %parallel_loop3A_213 = arith.index_cast %parallel_loop3A_179 : i32 to index
        %parallel_loop3A_214 = arith.constant 80 : index
        %parallel_loop3A_215 = tpu.vector_load %arg7[%parallel_loop3A_213, %parallel_loop3A_214] {strides = array<i32>} : memref<128x128xf32, #tpu.memory_space<vmem>>, vector<1x16xf32>,
        %parallel_loop3A_216 = vector.shape_cast %parallel_loop3A_215 : vector<1x16xf32> to vector<16xf32>
        %parallel_loop3A_217 = arith.addf %parallel_loop3A_185, %parallel_loop3A_216 : vector<16xf32>
        %parallel_loop3A_218 = arith.index_cast %parallel_loop3A_179 : i32 to index
        %parallel_loop3A_219 = arith.constant 96 : index
        %parallel_loop3A_220 = tpu.vector_load %arg7[%parallel_loop3A_218, %parallel_loop3A_219] {strides = array<i32>} : memref<128x128xf32, #tpu.memory_space<vmem>>, vector<1x16xf32>,
        %parallel_loop3A_221 = vector.shape_cast %parallel_loop3A_220 : vector<1x16xf32> to vector<16xf32>
        %parallel_loop3A_222 = arith.addf %parallel_loop3A_186, %parallel_loop3A_221 : vector<16xf32>
        %parallel_loop3A_223 = arith.index_cast %parallel_loop3A_179 : i32 to index
        %parallel_loop3A_224 = arith.constant 112 : index
        %parallel_loop3A_225 = tpu.vector_load %arg7[%parallel_loop3A_223, %parallel_loop3A_224] {strides = array<i32>} : memref<128x128xf32, #tpu.memory_space<vmem>>, vector<1x16xf32>,
        %parallel_loop3A_226 = vector.shape_cast %parallel_loop3A_225 : vector<1x16xf32> to vector<16xf32>
        %parallel_loop3A_227 = arith.addf %parallel_loop3A_187, %parallel_loop3A_226 : vector<16xf32>
        scf.yield %parallel_loop3A_192, %parallel_loop3A_197, %parallel_loop3A_202, %parallel_loop3A_207, %parallel_loop3A_212, %parallel_loop3A_217, %parallel_loop3A_222, %parallel_loop3A_227 : vector<16xf32>, vector<16xf32>, vector<16xf32>, vector<16xf32>, vector<16xf32>, vector<16xf32>, vector<16xf32>, vector<16xf32>
      } {sc.loop_unroll_factor = 2 : i64, sc.parallel_access}
      %dma_wait3A_104 = arith.constant 0 : i32
      %dma_wait3A_105 = arith.constant 0 : i32
      %dma_wait3A_106 = tpu.memref_slice %arg6[%dma_wait3A_104, %dma_wait3A_105] : memref<128x128xf32, #tpu.memory_space<vmem>> -> memref<112x128xf32, #tpu.memory_space<vmem>>
      %dma_wait3A_107 = arith.constant 224 : i32
      %dma_wait3A_108 = tpu.memref_slice %arg5[%dma_wait3A_107] : memref<560xi32, #tpu.memory_space<vmem>> -> memref<112xi32, #tpu.memory_space<vmem>>
      %dma_wait3A_109 = arith.constant 0 : i32
      %dma_wait3A_110 = arith.constant 0 : i32
      %dma_wait3A_111 = tpu.memref_slice %arg3[%dma_wait3A_109, %dma_wait3A_110] : memref<1000000x128xf32, #tpu.memory_space<hbm>> -> memref<1000000x128xf32, #tpu.memory_space<hbm>>
      tpu.wait_indirect_dma semaphore(%arg10 : memref<!tpu.dma_semaphore, #tpu.memory_space<semaphore_mem>>) src(%dma_wait3A_111 : memref<1000000x128xf32, #tpu.memory_space<hbm>>) dst(%dma_wait3A_106 : memref<112x128xf32, #tpu.memory_space<vmem>>)
      %dma_start3A_112 = arith.constant 0 : i32
      %dma_start3A_113 = arith.constant 0 : i32
      %dma_start3A_114 = tpu.memref_slice %arg8[%dma_start3A_112, %dma_start3A_113] : memref<48x128xf32, #tpu.memory_space<vmem>> -> memref<32x128xf32, #tpu.memory_space<vmem>>
      %dma_start3A_115 = arith.constant 432 : i32
      %dma_start3A_116 = tpu.memref_slice %arg5[%dma_start3A_115] : memref<560xi32, #tpu.memory_space<vmem>> -> memref<32xi32, #tpu.memory_space<vmem>>
      %dma_start3A_117 = arith.constant 0 : i32
      %dma_start3A_118 = arith.constant 0 : i32
      %dma_start3A_119 = tpu.memref_slice %arg3[%dma_start3A_117, %dma_start3A_118] : memref<1000000x128xf32, #tpu.memory_space<hbm>> -> memref<1000000x128xf32, #tpu.memory_space<hbm>>
      tpu.enqueue_indirect_dma source(%dma_start3A_119 : memref<1000000x128xf32, #tpu.memory_space<hbm>>) target(%dma_start3A_114 : memref<32x128xf32, #tpu.memory_space<vmem>>) offsets(%dma_start3A_116 : memref<32xi32, #tpu.memory_space<vmem>>) semaphore(%arg13 : memref<!tpu.dma_semaphore, #tpu.memory_space<semaphore_mem>>)
      %parallel_loop3A_120 = arith.constant 0 : i32
      %parallel_loop3A_121 = arith.constant 112 : i32
      %parallel_loop3A_122 = arith.constant 1 : i32
      %parallel_loop3A_123:8 = scf.for %parallel_loop3A_179 = %parallel_loop3A_120 to %parallel_loop3A_121 step %parallel_loop3A_122 iter_args(%parallel_loop3A_180 = %parallel_loop3A_103#0, %parallel_loop3A_181 = %parallel_loop3A_103#1, %parallel_loop3A_182 = %parallel_loop3A_103#2, %parallel_loop3A_183 = %parallel_loop3A_103#3, %parallel_loop3A_184 = %parallel_loop3A_103#4, %parallel_loop3A_185 = %parallel_loop3A_103#5, %parallel_loop3A_186 = %parallel_loop3A_103#6, %parallel_loop3A_187 = %parallel_loop3A_103#7) -> (vector<16xf32>, vector<16xf32>, vector<16xf32>, vector<16xf32>, vector<16xf32>, vector<16xf32>, vector<16xf32>, vector<16xf32>)  : i32 {
        %parallel_loop3A_188 = arith.index_cast %parallel_loop3A_179 : i32 to index
        %parallel_loop3A_189 = arith.constant 0 : index
        %parallel_loop3A_190 = tpu.vector_load %arg6[%parallel_loop3A_188, %parallel_loop3A_189] {strides = array<i32>} : memref<128x128xf32, #tpu.memory_space<vmem>>, vector<1x16xf32>,
        %parallel_loop3A_191 = vector.shape_cast %parallel_loop3A_190 : vector<1x16xf32> to vector<16xf32>
        %parallel_loop3A_192 = arith.addf %parallel_loop3A_180, %parallel_loop3A_191 : vector<16xf32>
        %parallel_loop3A_193 = arith.index_cast %parallel_loop3A_179 : i32 to index
        %parallel_loop3A_194 = arith.constant 16 : index
        %parallel_loop3A_195 = tpu.vector_load %arg6[%parallel_loop3A_193, %parallel_loop3A_194] {strides = array<i32>} : memref<128x128xf32, #tpu.memory_space<vmem>>, vector<1x16xf32>,
        %parallel_loop3A_196 = vector.shape_cast %parallel_loop3A_195 : vector<1x16xf32> to vector<16xf32>
        %parallel_loop3A_197 = arith.addf %parallel_loop3A_181, %parallel_loop3A_196 : vector<16xf32>
        %parallel_loop3A_198 = arith.index_cast %parallel_loop3A_179 : i32 to index
        %parallel_loop3A_199 = arith.constant 32 : index
        %parallel_loop3A_200 = tpu.vector_load %arg6[%parallel_loop3A_198, %parallel_loop3A_199] {strides = array<i32>} : memref<128x128xf32, #tpu.memory_space<vmem>>, vector<1x16xf32>,
        %parallel_loop3A_201 = vector.shape_cast %parallel_loop3A_200 : vector<1x16xf32> to vector<16xf32>
        %parallel_loop3A_202 = arith.addf %parallel_loop3A_182, %parallel_loop3A_201 : vector<16xf32>
        %parallel_loop3A_203 = arith.index_cast %parallel_loop3A_179 : i32 to index
        %parallel_loop3A_204 = arith.constant 48 : index
        %parallel_loop3A_205 = tpu.vector_load %arg6[%parallel_loop3A_203, %parallel_loop3A_204] {strides = array<i32>} : memref<128x128xf32, #tpu.memory_space<vmem>>, vector<1x16xf32>,
        %parallel_loop3A_206 = vector.shape_cast %parallel_loop3A_205 : vector<1x16xf32> to vector<16xf32>
        %parallel_loop3A_207 = arith.addf %parallel_loop3A_183, %parallel_loop3A_206 : vector<16xf32>
        %parallel_loop3A_208 = arith.index_cast %parallel_loop3A_179 : i32 to index
        %parallel_loop3A_209 = arith.constant 64 : index
        %parallel_loop3A_210 = tpu.vector_load %arg6[%parallel_loop3A_208, %parallel_loop3A_209] {strides = array<i32>} : memref<128x128xf32, #tpu.memory_space<vmem>>, vector<1x16xf32>,
        %parallel_loop3A_211 = vector.shape_cast %parallel_loop3A_210 : vector<1x16xf32> to vector<16xf32>
        %parallel_loop3A_212 = arith.addf %parallel_loop3A_184, %parallel_loop3A_211 : vector<16xf32>
        %parallel_loop3A_213 = arith.index_cast %parallel_loop3A_179 : i32 to index
        %parallel_loop3A_214 = arith.constant 80 : index
        %parallel_loop3A_215 = tpu.vector_load %arg6[%parallel_loop3A_213, %parallel_loop3A_214] {strides = array<i32>} : memref<128x128xf32, #tpu.memory_space<vmem>>, vector<1x16xf32>,
        %parallel_loop3A_216 = vector.shape_cast %parallel_loop3A_215 : vector<1x16xf32> to vector<16xf32>
        %parallel_loop3A_217 = arith.addf %parallel_loop3A_185, %parallel_loop3A_216 : vector<16xf32>
        %parallel_loop3A_218 = arith.index_cast %parallel_loop3A_179 : i32 to index
        %parallel_loop3A_219 = arith.constant 96 : index
        %parallel_loop3A_220 = tpu.vector_load %arg6[%parallel_loop3A_218, %parallel_loop3A_219] {strides = array<i32>} : memref<128x128xf32, #tpu.memory_space<vmem>>, vector<1x16xf32>,
        %parallel_loop3A_221 = vector.shape_cast %parallel_loop3A_220 : vector<1x16xf32> to vector<16xf32>
        %parallel_loop3A_222 = arith.addf %parallel_loop3A_186, %parallel_loop3A_221 : vector<16xf32>
        %parallel_loop3A_223 = arith.index_cast %parallel_loop3A_179 : i32 to index
        %parallel_loop3A_224 = arith.constant 112 : index
        %parallel_loop3A_225 = tpu.vector_load %arg6[%parallel_loop3A_223, %parallel_loop3A_224] {strides = array<i32>} : memref<128x128xf32, #tpu.memory_space<vmem>>, vector<1x16xf32>,
        %parallel_loop3A_226 = vector.shape_cast %parallel_loop3A_225 : vector<1x16xf32> to vector<16xf32>
        %parallel_loop3A_227 = arith.addf %parallel_loop3A_187, %parallel_loop3A_226 : vector<16xf32>
        scf.yield %parallel_loop3A_192, %parallel_loop3A_197, %parallel_loop3A_202, %parallel_loop3A_207, %parallel_loop3A_212, %parallel_loop3A_217, %parallel_loop3A_222, %parallel_loop3A_227 : vector<16xf32>, vector<16xf32>, vector<16xf32>, vector<16xf32>, vector<16xf32>, vector<16xf32>, vector<16xf32>, vector<16xf32>
      } {sc.loop_unroll_factor = 2 : i64, sc.parallel_access}
      %dma_wait3A_124 = arith.constant 0 : i32
      %dma_wait3A_125 = arith.constant 0 : i32
      %dma_wait3A_126 = tpu.memref_slice %arg7[%dma_wait3A_124, %dma_wait3A_125] : memref<128x128xf32, #tpu.memory_space<vmem>> -> memref<96x128xf32, #tpu.memory_space<vmem>>
      %dma_wait3A_127 = arith.constant 336 : i32
      %dma_wait3A_128 = tpu.memref_slice %arg5[%dma_wait3A_127] : memref<560xi32, #tpu.memory_space<vmem>> -> memref<96xi32, #tpu.memory_space<vmem>>
      %dma_wait3A_129 = arith.constant 0 : i32
      %dma_wait3A_130 = arith.constant 0 : i32
      %dma_wait3A_131 = tpu.memref_slice %arg3[%dma_wait3A_129, %dma_wait3A_130] : memref<1000000x128xf32, #tpu.memory_space<hbm>> -> memref<1000000x128xf32, #tpu.memory_space<hbm>>
      tpu.wait_indirect_dma semaphore(%arg11 : memref<!tpu.dma_semaphore, #tpu.memory_space<semaphore_mem>>) src(%dma_wait3A_131 : memref<1000000x128xf32, #tpu.memory_space<hbm>>) dst(%dma_wait3A_126 : memref<96x128xf32, #tpu.memory_space<vmem>>)
      %parallel_loop3A_132 = arith.constant 0 : i32
      %parallel_loop3A_133 = arith.constant 96 : i32
      %parallel_loop3A_134 = arith.constant 1 : i32
      %parallel_loop3A_135:8 = scf.for %parallel_loop3A_179 = %parallel_loop3A_132 to %parallel_loop3A_133 step %parallel_loop3A_134 iter_args(%parallel_loop3A_180 = %parallel_loop3A_123#0, %parallel_loop3A_181 = %parallel_loop3A_123#1, %parallel_loop3A_182 = %parallel_loop3A_123#2, %parallel_loop3A_183 = %parallel_loop3A_123#3, %parallel_loop3A_184 = %parallel_loop3A_123#4, %parallel_loop3A_185 = %parallel_loop3A_123#5, %parallel_loop3A_186 = %parallel_loop3A_123#6, %parallel_loop3A_187 = %parallel_loop3A_123#7) -> (vector<16xf32>, vector<16xf32>, vector<16xf32>, vector<16xf32>, vector<16xf32>, vector<16xf32>, vector<16xf32>, vector<16xf32>)  : i32 {
        %parallel_loop3A_188 = arith.index_cast %parallel_loop3A_179 : i32 to index
        %parallel_loop3A_189 = arith.constant 0 : index
        %parallel_loop3A_190 = tpu.vector_load %arg7[%parallel_loop3A_188, %parallel_loop3A_189] {strides = array<i32>} : memref<128x128xf32, #tpu.memory_space<vmem>>, vector<1x16xf32>,
        %parallel_loop3A_191 = vector.shape_cast %parallel_loop3A_190 : vector<1x16xf32> to vector<16xf32>
        %parallel_loop3A_192 = arith.addf %parallel_loop3A_180, %parallel_loop3A_191 : vector<16xf32>
        %parallel_loop3A_193 = arith.index_cast %parallel_loop3A_179 : i32 to index
        %parallel_loop3A_194 = arith.constant 16 : index
        %parallel_loop3A_195 = tpu.vector_load %arg7[%parallel_loop3A_193, %parallel_loop3A_194] {strides = array<i32>} : memref<128x128xf32, #tpu.memory_space<vmem>>, vector<1x16xf32>,
        %parallel_loop3A_196 = vector.shape_cast %parallel_loop3A_195 : vector<1x16xf32> to vector<16xf32>
        %parallel_loop3A_197 = arith.addf %parallel_loop3A_181, %parallel_loop3A_196 : vector<16xf32>
        %parallel_loop3A_198 = arith.index_cast %parallel_loop3A_179 : i32 to index
        %parallel_loop3A_199 = arith.constant 32 : index
        %parallel_loop3A_200 = tpu.vector_load %arg7[%parallel_loop3A_198, %parallel_loop3A_199] {strides = array<i32>} : memref<128x128xf32, #tpu.memory_space<vmem>>, vector<1x16xf32>,
        %parallel_loop3A_201 = vector.shape_cast %parallel_loop3A_200 : vector<1x16xf32> to vector<16xf32>
        %parallel_loop3A_202 = arith.addf %parallel_loop3A_182, %parallel_loop3A_201 : vector<16xf32>
        %parallel_loop3A_203 = arith.index_cast %parallel_loop3A_179 : i32 to index
        %parallel_loop3A_204 = arith.constant 48 : index
        %parallel_loop3A_205 = tpu.vector_load %arg7[%parallel_loop3A_203, %parallel_loop3A_204] {strides = array<i32>} : memref<128x128xf32, #tpu.memory_space<vmem>>, vector<1x16xf32>,
        %parallel_loop3A_206 = vector.shape_cast %parallel_loop3A_205 : vector<1x16xf32> to vector<16xf32>
        %parallel_loop3A_207 = arith.addf %parallel_loop3A_183, %parallel_loop3A_206 : vector<16xf32>
        %parallel_loop3A_208 = arith.index_cast %parallel_loop3A_179 : i32 to index
        %parallel_loop3A_209 = arith.constant 64 : index
        %parallel_loop3A_210 = tpu.vector_load %arg7[%parallel_loop3A_208, %parallel_loop3A_209] {strides = array<i32>} : memref<128x128xf32, #tpu.memory_space<vmem>>, vector<1x16xf32>,
        %parallel_loop3A_211 = vector.shape_cast %parallel_loop3A_210 : vector<1x16xf32> to vector<16xf32>
        %parallel_loop3A_212 = arith.addf %parallel_loop3A_184, %parallel_loop3A_211 : vector<16xf32>
        %parallel_loop3A_213 = arith.index_cast %parallel_loop3A_179 : i32 to index
        %parallel_loop3A_214 = arith.constant 80 : index
        %parallel_loop3A_215 = tpu.vector_load %arg7[%parallel_loop3A_213, %parallel_loop3A_214] {strides = array<i32>} : memref<128x128xf32, #tpu.memory_space<vmem>>, vector<1x16xf32>,
        %parallel_loop3A_216 = vector.shape_cast %parallel_loop3A_215 : vector<1x16xf32> to vector<16xf32>
        %parallel_loop3A_217 = arith.addf %parallel_loop3A_185, %parallel_loop3A_216 : vector<16xf32>
        %parallel_loop3A_218 = arith.index_cast %parallel_loop3A_179 : i32 to index
        %parallel_loop3A_219 = arith.constant 96 : index
        %parallel_loop3A_220 = tpu.vector_load %arg7[%parallel_loop3A_218, %parallel_loop3A_219] {strides = array<i32>} : memref<128x128xf32, #tpu.memory_space<vmem>>, vector<1x16xf32>,
        %parallel_loop3A_221 = vector.shape_cast %parallel_loop3A_220 : vector<1x16xf32> to vector<16xf32>
        %parallel_loop3A_222 = arith.addf %parallel_loop3A_186, %parallel_loop3A_221 : vector<16xf32>
        %parallel_loop3A_223 = arith.index_cast %parallel_loop3A_179 : i32 to index
        %parallel_loop3A_224 = arith.constant 112 : index
        %parallel_loop3A_225 = tpu.vector_load %arg7[%parallel_loop3A_223, %parallel_loop3A_224] {strides = array<i32>} : memref<128x128xf32, #tpu.memory_space<vmem>>, vector<1x16xf32>,
        %parallel_loop3A_226 = vector.shape_cast %parallel_loop3A_225 : vector<1x16xf32> to vector<16xf32>
        %parallel_loop3A_227 = arith.addf %parallel_loop3A_187, %parallel_loop3A_226 : vector<16xf32>
        scf.yield %parallel_loop3A_192, %parallel_loop3A_197, %parallel_loop3A_202, %parallel_loop3A_207, %parallel_loop3A_212, %parallel_loop3A_217, %parallel_loop3A_222, %parallel_loop3A_227 : vector<16xf32>, vector<16xf32>, vector<16xf32>, vector<16xf32>, vector<16xf32>, vector<16xf32>, vector<16xf32>, vector<16xf32>
      } {sc.loop_unroll_factor = 2 : i64, sc.parallel_access}
      %dma_wait3A_136 = arith.constant 0 : i32
      %dma_wait3A_137 = arith.constant 0 : i32
      %dma_wait3A_138 = tpu.memref_slice %arg8[%dma_wait3A_136, %dma_wait3A_137] : memref<48x128xf32, #tpu.memory_space<vmem>> -> memref<32x128xf32, #tpu.memory_space<vmem>>
      %dma_wait3A_139 = arith.constant 432 : i32
      %dma_wait3A_140 = tpu.memref_slice %arg5[%dma_wait3A_139] : memref<560xi32, #tpu.memory_space<vmem>> -> memref<32xi32, #tpu.memory_space<vmem>>
      %dma_wait3A_141 = arith.constant 0 : i32
      %dma_wait3A_142 = arith.constant 0 : i32
      %dma_wait3A_143 = tpu.memref_slice %arg3[%dma_wait3A_141, %dma_wait3A_142] : memref<1000000x128xf32, #tpu.memory_space<hbm>> -> memref<1000000x128xf32, #tpu.memory_space<hbm>>
      tpu.wait_indirect_dma semaphore(%arg13 : memref<!tpu.dma_semaphore, #tpu.memory_space<semaphore_mem>>) src(%dma_wait3A_143 : memref<1000000x128xf32, #tpu.memory_space<hbm>>) dst(%dma_wait3A_138 : memref<32x128xf32, #tpu.memory_space<vmem>>)
      %parallel_loop3A_144 = arith.constant 0 : i32
      %parallel_loop3A_145 = arith.constant 32 : i32
      %parallel_loop3A_146 = arith.constant 1 : i32
      %parallel_loop3A_147:8 = scf.for %parallel_loop3A_179 = %parallel_loop3A_144 to %parallel_loop3A_145 step %parallel_loop3A_146 iter_args(%parallel_loop3A_180 = %parallel_loop3A_135#0, %parallel_loop3A_181 = %parallel_loop3A_135#1, %parallel_loop3A_182 = %parallel_loop3A_135#2, %parallel_loop3A_183 = %parallel_loop3A_135#3, %parallel_loop3A_184 = %parallel_loop3A_135#4, %parallel_loop3A_185 = %parallel_loop3A_135#5, %parallel_loop3A_186 = %parallel_loop3A_135#6, %parallel_loop3A_187 = %parallel_loop3A_135#7) -> (vector<16xf32>, vector<16xf32>, vector<16xf32>, vector<16xf32>, vector<16xf32>, vector<16xf32>, vector<16xf32>, vector<16xf32>)  : i32 {
        %parallel_loop3A_188 = arith.index_cast %parallel_loop3A_179 : i32 to index
        %parallel_loop3A_189 = arith.constant 0 : index
        %parallel_loop3A_190 = tpu.vector_load %arg8[%parallel_loop3A_188, %parallel_loop3A_189] {strides = array<i32>} : memref<48x128xf32, #tpu.memory_space<vmem>>, vector<1x16xf32>,
        %parallel_loop3A_191 = vector.shape_cast %parallel_loop3A_190 : vector<1x16xf32> to vector<16xf32>
        %parallel_loop3A_192 = arith.addf %parallel_loop3A_180, %parallel_loop3A_191 : vector<16xf32>
        %parallel_loop3A_193 = arith.index_cast %parallel_loop3A_179 : i32 to index
        %parallel_loop3A_194 = arith.constant 16 : index
        %parallel_loop3A_195 = tpu.vector_load %arg8[%parallel_loop3A_193, %parallel_loop3A_194] {strides = array<i32>} : memref<48x128xf32, #tpu.memory_space<vmem>>, vector<1x16xf32>,
        %parallel_loop3A_196 = vector.shape_cast %parallel_loop3A_195 : vector<1x16xf32> to vector<16xf32>
        %parallel_loop3A_197 = arith.addf %parallel_loop3A_181, %parallel_loop3A_196 : vector<16xf32>
        %parallel_loop3A_198 = arith.index_cast %parallel_loop3A_179 : i32 to index
        %parallel_loop3A_199 = arith.constant 32 : index
        %parallel_loop3A_200 = tpu.vector_load %arg8[%parallel_loop3A_198, %parallel_loop3A_199] {strides = array<i32>} : memref<48x128xf32, #tpu.memory_space<vmem>>, vector<1x16xf32>,
        %parallel_loop3A_201 = vector.shape_cast %parallel_loop3A_200 : vector<1x16xf32> to vector<16xf32>
        %parallel_loop3A_202 = arith.addf %parallel_loop3A_182, %parallel_loop3A_201 : vector<16xf32>
        %parallel_loop3A_203 = arith.index_cast %parallel_loop3A_179 : i32 to index
        %parallel_loop3A_204 = arith.constant 48 : index
        %parallel_loop3A_205 = tpu.vector_load %arg8[%parallel_loop3A_203, %parallel_loop3A_204] {strides = array<i32>} : memref<48x128xf32, #tpu.memory_space<vmem>>, vector<1x16xf32>,
        %parallel_loop3A_206 = vector.shape_cast %parallel_loop3A_205 : vector<1x16xf32> to vector<16xf32>
        %parallel_loop3A_207 = arith.addf %parallel_loop3A_183, %parallel_loop3A_206 : vector<16xf32>
        %parallel_loop3A_208 = arith.index_cast %parallel_loop3A_179 : i32 to index
        %parallel_loop3A_209 = arith.constant 64 : index
        %parallel_loop3A_210 = tpu.vector_load %arg8[%parallel_loop3A_208, %parallel_loop3A_209] {strides = array<i32>} : memref<48x128xf32, #tpu.memory_space<vmem>>, vector<1x16xf32>,
        %parallel_loop3A_211 = vector.shape_cast %parallel_loop3A_210 : vector<1x16xf32> to vector<16xf32>
        %parallel_loop3A_212 = arith.addf %parallel_loop3A_184, %parallel_loop3A_211 : vector<16xf32>
        %parallel_loop3A_213 = arith.index_cast %parallel_loop3A_179 : i32 to index
        %parallel_loop3A_214 = arith.constant 80 : index
        %parallel_loop3A_215 = tpu.vector_load %arg8[%parallel_loop3A_213, %parallel_loop3A_214] {strides = array<i32>} : memref<48x128xf32, #tpu.memory_space<vmem>>, vector<1x16xf32>,
        %parallel_loop3A_216 = vector.shape_cast %parallel_loop3A_215 : vector<1x16xf32> to vector<16xf32>
        %parallel_loop3A_217 = arith.addf %parallel_loop3A_185, %parallel_loop3A_216 : vector<16xf32>
        %parallel_loop3A_218 = arith.index_cast %parallel_loop3A_179 : i32 to index
        %parallel_loop3A_219 = arith.constant 96 : index
        %parallel_loop3A_220 = tpu.vector_load %arg8[%parallel_loop3A_218, %parallel_loop3A_219] {strides = array<i32>} : memref<48x128xf32, #tpu.memory_space<vmem>>, vector<1x16xf32>,
        %parallel_loop3A_221 = vector.shape_cast %parallel_loop3A_220 : vector<1x16xf32> to vector<16xf32>
        %parallel_loop3A_222 = arith.addf %parallel_loop3A_186, %parallel_loop3A_221 : vector<16xf32>
        %parallel_loop3A_223 = arith.index_cast %parallel_loop3A_179 : i32 to index
        %parallel_loop3A_224 = arith.constant 112 : index
        %parallel_loop3A_225 = tpu.vector_load %arg8[%parallel_loop3A_223, %parallel_loop3A_224] {strides = array<i32>} : memref<48x128xf32, #tpu.memory_space<vmem>>, vector<1x16xf32>,
        %parallel_loop3A_226 = vector.shape_cast %parallel_loop3A_225 : vector<1x16xf32> to vector<16xf32>
        %parallel_loop3A_227 = arith.addf %parallel_loop3A_187, %parallel_loop3A_226 : vector<16xf32>
        scf.yield %parallel_loop3A_192, %parallel_loop3A_197, %parallel_loop3A_202, %parallel_loop3A_207, %parallel_loop3A_212, %parallel_loop3A_217, %parallel_loop3A_222, %parallel_loop3A_227 : vector<16xf32>, vector<16xf32>, vector<16xf32>, vector<16xf32>, vector<16xf32>, vector<16xf32>, vector<16xf32>, vector<16xf32>
      } {sc.loop_unroll_factor = 2 : i64, sc.parallel_access}
      %swap3A = arith.constant 0 : index
      %swap3A_148 = tpu.vector_load %arg9[%swap3A] {strides = array<i32>} : memref<128xf32, #tpu.memory_space<vmem>>, vector<16xf32>,
      %swap3A_149 = vector.shape_cast %swap3A_148 : vector<16xf32> to vector<16xf32>
      %swap3A_150 = vector.shape_cast %parallel_loop3A_147#0 : vector<16xf32> to vector<16xf32>
      tpu.vector_store %arg9[%swap3A], %swap3A_150 {strides = array<i32>} : memref<128xf32, #tpu.memory_space<vmem>>, vector<16xf32>,
      %swap3A_151 = arith.constant 16 : index
      %swap3A_152 = tpu.vector_load %arg9[%swap3A_151] {strides = array<i32>} : memref<128xf32, #tpu.memory_space<vmem>>, vector<16xf32>,
      %swap3A_153 = vector.shape_cast %swap3A_152 : vector<16xf32> to vector<16xf32>
      %swap3A_154 = vector.shape_cast %parallel_loop3A_147#1 : vector<16xf32> to vector<16xf32>
      tpu.vector_store %arg9[%swap3A_151], %swap3A_154 {strides = array<i32>} : memref<128xf32, #tpu.memory_space<vmem>>, vector<16xf32>,
      %swap3A_155 = arith.constant 32 : index
      %swap3A_156 = tpu.vector_load %arg9[%swap3A_155] {strides = array<i32>} : memref<128xf32, #tpu.memory_space<vmem>>, vector<16xf32>,
      %swap3A_157 = vector.shape_cast %swap3A_156 : vector<16xf32> to vector<16xf32>
      %swap3A_158 = vector.shape_cast %parallel_loop3A_147#2 : vector<16xf32> to vector<16xf32>
      tpu.vector_store %arg9[%swap3A_155], %swap3A_158 {strides = array<i32>} : memref<128xf32, #tpu.memory_space<vmem>>, vector<16xf32>,
      %swap3A_159 = arith.constant 48 : index
      %swap3A_160 = tpu.vector_load %arg9[%swap3A_159] {strides = array<i32>} : memref<128xf32, #tpu.memory_space<vmem>>, vector<16xf32>,
      %swap3A_161 = vector.shape_cast %swap3A_160 : vector<16xf32> to vector<16xf32>
      %swap3A_162 = vector.shape_cast %parallel_loop3A_147#3 : vector<16xf32> to vector<16xf32>
      tpu.vector_store %arg9[%swap3A_159], %swap3A_162 {strides = array<i32>} : memref<128xf32, #tpu.memory_space<vmem>>, vector<16xf32>,
      %swap3A_163 = arith.constant 64 : index
      %swap3A_164 = tpu.vector_load %arg9[%swap3A_163] {strides = array<i32>} : memref<128xf32, #tpu.memory_space<vmem>>, vector<16xf32>,
      %swap3A_165 = vector.shape_cast %swap3A_164 : vector<16xf32> to vector<16xf32>
      %swap3A_166 = vector.shape_cast %parallel_loop3A_147#4 : vector<16xf32> to vector<16xf32>
      tpu.vector_store %arg9[%swap3A_163], %swap3A_166 {strides = array<i32>} : memref<128xf32, #tpu.memory_space<vmem>>, vector<16xf32>,
      %swap3A_167 = arith.constant 80 : index
      %swap3A_168 = tpu.vector_load %arg9[%swap3A_167] {strides = array<i32>} : memref<128xf32, #tpu.memory_space<vmem>>, vector<16xf32>,
      %swap3A_169 = vector.shape_cast %swap3A_168 : vector<16xf32> to vector<16xf32>
      %swap3A_170 = vector.shape_cast %parallel_loop3A_147#5 : vector<16xf32> to vector<16xf32>
      tpu.vector_store %arg9[%swap3A_167], %swap3A_170 {strides = array<i32>} : memref<128xf32, #tpu.memory_space<vmem>>, vector<16xf32>,
      %swap3A_171 = arith.constant 96 : index
      %swap3A_172 = tpu.vector_load %arg9[%swap3A_171] {strides = array<i32>} : memref<128xf32, #tpu.memory_space<vmem>>, vector<16xf32>,
      %swap3A_173 = vector.shape_cast %swap3A_172 : vector<16xf32> to vector<16xf32>
      %swap3A_174 = vector.shape_cast %parallel_loop3A_147#6 : vector<16xf32> to vector<16xf32>
      tpu.vector_store %arg9[%swap3A_171], %swap3A_174 {strides = array<i32>} : memref<128xf32, #tpu.memory_space<vmem>>, vector<16xf32>,
      %swap3A_175 = arith.constant 112 : index
      %swap3A_176 = tpu.vector_load %arg9[%swap3A_175] {strides = array<i32>} : memref<128xf32, #tpu.memory_space<vmem>>, vector<16xf32>,
      %swap3A_177 = vector.shape_cast %swap3A_176 : vector<16xf32> to vector<16xf32>
      %swap3A_178 = vector.shape_cast %parallel_loop3A_147#7 : vector<16xf32> to vector<16xf32>
      tpu.vector_store %arg9[%swap3A_175], %swap3A_178 {strides = array<i32>} : memref<128xf32, #tpu.memory_space<vmem>>, vector<16xf32>,
      "tpu.region"() ({
        %run_scoped3A = tpu.sem_alloc : memref<!tpu.dma_semaphore, #tpu.memory_space<semaphore_mem>>
        %dma_start3A_179 = arith.constant 0 : i32
        %dma_start3A_180 = tpu.memref_slice %arg4[%add3A, %dma_start3A_179] : memref<32x128xf32, #tpu.memory_space<hbm>> -> memref<1x128xf32, #tpu.memory_space<hbm>>
        %dma_start3A_181 = tpu.memref_squeeze %dma_start3A_180 : memref<1x128xf32, #tpu.memory_space<hbm>> -> memref<128xf32, #tpu.memory_space<hbm>>
        %dma_start3A_182 = arith.constant 0 : i32
        %dma_start3A_183 = tpu.memref_slice %arg4[%add3A, %dma_start3A_182] : memref<32x128xf32, #tpu.memory_space<hbm>> -> memref<1x128xf32, #tpu.memory_space<hbm>>
        %dma_start3A_184 = tpu.memref_squeeze %dma_start3A_183 : memref<1x128xf32, #tpu.memory_space<hbm>> -> memref<128xf32, #tpu.memory_space<hbm>>
        tpu.enqueue_dma source(%arg9 : memref<128xf32, #tpu.memory_space<vmem>>) target(%dma_start3A_184 : memref<128xf32, #tpu.memory_space<hbm>>) target_semaphore(%run_scoped3A : memref<!tpu.dma_semaphore, #tpu.memory_space<semaphore_mem>>)
        %dma_wait3A_185 = arith.constant 0 : i32
        %dma_wait3A_186 = tpu.memref_slice %arg4[%add3A, %dma_wait3A_185] : memref<32x128xf32, #tpu.memory_space<hbm>> -> memref<1x128xf32, #tpu.memory_space<hbm>>
        %dma_wait3A_187 = tpu.memref_squeeze %dma_wait3A_186 : memref<1x128xf32, #tpu.memory_space<hbm>> -> memref<128xf32, #tpu.memory_space<hbm>>
        %dma_wait3A_188 = arith.constant 0 : i32
        %dma_wait3A_189 = tpu.memref_slice %arg4[%add3A, %dma_wait3A_188] : memref<32x128xf32, #tpu.memory_space<hbm>> -> memref<1x128xf32, #tpu.memory_space<hbm>>
        %dma_wait3A_190 = tpu.memref_squeeze %dma_wait3A_189 : memref<1x128xf32, #tpu.memory_space<hbm>> -> memref<128xf32, #tpu.memory_space<hbm>>
        tpu.wait_dma2 semaphore(%run_scoped3A : memref<!tpu.dma_semaphore, #tpu.memory_space<semaphore_mem>>) src(%arg9 : memref<128xf32, #tpu.memory_space<vmem>>) dst(%dma_wait3A_190 : memref<128xf32, #tpu.memory_space<hbm>>)
        tpu.yield
      }) : () -> ()
    } else {
    }
    %eq3A_3 = arith.constant 1 : i32
    %eq3A_4 = arith.cmpi eq, %arg0, %eq3A_3 : i32
    %convert_element_type3A_5 = arith.extui %eq3A_4 : i1 to i32
    %cond3A_6 = arith.constant 0 : i32
    %cond3A_7 = arith.cmpi ne, %convert_element_type3A_5, %cond3A_6 : i32
    scf.if %cond3A_7 {
      %mul3A_8 = arith.constant 560 : i32
      %mul3A_9 = arith.muli %arg1, %mul3A_8 : i32
      %add3A_10 = arith.constant 7424 : i32
      %add3A_11 = arith.addi %add3A_10, %mul3A_9 : i32
      %dma_start3A = arith.constant 0 : i32
      %dma_start3A_12 = tpu.memref_slice %arg5[%dma_start3A] : memref<560xi32, #tpu.memory_space<vmem>> -> memref<128xi32, #tpu.memory_space<vmem>>
      %dma_start3A_13 = tpu.memref_slice %arg2[%add3A_11] : memref<16384xi32, #tpu.memory_space<hbm>> -> memref<128xi32, #tpu.memory_space<hbm>>
      %dma_start3A_14 = arith.constant 0 : i32
      %dma_start3A_15 = tpu.memref_slice %arg5[%dma_start3A_14] : memref<560xi32, #tpu.memory_space<vmem>> -> memref<128xi32, #tpu.memory_space<vmem>>
      %dma_start3A_16 = tpu.memref_slice %arg2[%add3A_11] : memref<16384xi32, #tpu.memory_space<hbm>> -> memref<128xi32, #tpu.memory_space<hbm>>
      tpu.enqueue_dma source(%dma_start3A_16 : memref<128xi32, #tpu.memory_space<hbm>>) target(%dma_start3A_15 : memref<128xi32, #tpu.memory_space<vmem>>) target_semaphore(%arg12 : memref<!tpu.dma_semaphore, #tpu.memory_space<semaphore_mem>>)
      %add3A_17 = arith.constant 128 : i32
      %add3A_18 = arith.addi %add3A_11, %add3A_17 : i32
      %dma_start3A_19 = arith.constant 128 : i32
      %dma_start3A_20 = tpu.memref_slice %arg5[%dma_start3A_19] : memref<560xi32, #tpu.memory_space<vmem>> -> memref<432xi32, #tpu.memory_space<vmem>>
      %dma_start3A_21 = tpu.memref_slice %arg2[%add3A_18] : memref<16384xi32, #tpu.memory_space<hbm>> -> memref<432xi32, #tpu.memory_space<hbm>>
      %dma_start3A_22 = arith.constant 128 : i32
      %dma_start3A_23 = tpu.memref_slice %arg5[%dma_start3A_22] : memref<560xi32, #tpu.memory_space<vmem>> -> memref<432xi32, #tpu.memory_space<vmem>>
      %dma_start3A_24 = tpu.memref_slice %arg2[%add3A_18] : memref<16384xi32, #tpu.memory_space<hbm>> -> memref<432xi32, #tpu.memory_space<hbm>>
      tpu.enqueue_dma source(%dma_start3A_24 : memref<432xi32, #tpu.memory_space<hbm>>) target(%dma_start3A_23 : memref<432xi32, #tpu.memory_space<vmem>>) target_semaphore(%arg13 : memref<!tpu.dma_semaphore, #tpu.memory_space<semaphore_mem>>)
      %dma_wait3A = arith.constant 0 : i32
      %dma_wait3A_25 = tpu.memref_slice %arg5[%dma_wait3A] : memref<560xi32, #tpu.memory_space<vmem>> -> memref<128xi32, #tpu.memory_space<vmem>>
      %dma_wait3A_26 = tpu.memref_slice %arg2[%add3A_11] : memref<16384xi32, #tpu.memory_space<hbm>> -> memref<128xi32, #tpu.memory_space<hbm>>
      %dma_wait3A_27 = arith.constant 0 : i32
      %dma_wait3A_28 = tpu.memref_slice %arg5[%dma_wait3A_27] : memref<560xi32, #tpu.memory_space<vmem>> -> memref<128xi32, #tpu.memory_space<vmem>>
      %dma_wait3A_29 = tpu.memref_slice %arg2[%add3A_11] : memref<16384xi32, #tpu.memory_space<hbm>> -> memref<128xi32, #tpu.memory_space<hbm>>
      tpu.wait_dma2 semaphore(%arg12 : memref<!tpu.dma_semaphore, #tpu.memory_space<semaphore_mem>>) src(%dma_wait3A_29 : memref<128xi32, #tpu.memory_space<hbm>>) dst(%dma_wait3A_28 : memref<128xi32, #tpu.memory_space<vmem>>)
      %dma_start3A_30 = arith.constant 0 : i32
      %dma_start3A_31 = arith.constant 0 : i32
      %dma_start3A_32 = tpu.memref_slice %arg6[%dma_start3A_30, %dma_start3A_31] : memref<128x128xf32, #tpu.memory_space<vmem>> -> memref<128x128xf32, #tpu.memory_space<vmem>>
      %dma_start3A_33 = arith.constant 0 : i32
      %dma_start3A_34 = tpu.memref_slice %arg5[%dma_start3A_33] : memref<560xi32, #tpu.memory_space<vmem>> -> memref<128xi32, #tpu.memory_space<vmem>>
      %dma_start3A_35 = arith.constant 0 : i32
      %dma_start3A_36 = arith.constant 0 : i32
      %dma_start3A_37 = tpu.memref_slice %arg3[%dma_start3A_35, %dma_start3A_36] : memref<1000000x128xf32, #tpu.memory_space<hbm>> -> memref<1000000x128xf32, #tpu.memory_space<hbm>>
      tpu.enqueue_indirect_dma source(%dma_start3A_37 : memref<1000000x128xf32, #tpu.memory_space<hbm>>) target(%dma_start3A_32 : memref<128x128xf32, #tpu.memory_space<vmem>>) offsets(%dma_start3A_34 : memref<128xi32, #tpu.memory_space<vmem>>) semaphore(%arg10 : memref<!tpu.dma_semaphore, #tpu.memory_space<semaphore_mem>>)
      %dma_wait3A_38 = arith.constant 128 : i32
      %dma_wait3A_39 = tpu.memref_slice %arg5[%dma_wait3A_38] : memref<560xi32, #tpu.memory_space<vmem>> -> memref<432xi32, #tpu.memory_space<vmem>>
      %dma_wait3A_40 = tpu.memref_slice %arg2[%add3A_18] : memref<16384xi32, #tpu.memory_space<hbm>> -> memref<432xi32, #tpu.memory_space<hbm>>
      %dma_wait3A_41 = arith.constant 128 : i32
      %dma_wait3A_42 = tpu.memref_slice %arg5[%dma_wait3A_41] : memref<560xi32, #tpu.memory_space<vmem>> -> memref<432xi32, #tpu.memory_space<vmem>>
      %dma_wait3A_43 = tpu.memref_slice %arg2[%add3A_18] : memref<16384xi32, #tpu.memory_space<hbm>> -> memref<432xi32, #tpu.memory_space<hbm>>
      tpu.wait_dma2 semaphore(%arg13 : memref<!tpu.dma_semaphore, #tpu.memory_space<semaphore_mem>>) src(%dma_wait3A_43 : memref<432xi32, #tpu.memory_space<hbm>>) dst(%dma_wait3A_42 : memref<432xi32, #tpu.memory_space<vmem>>)
      %dma_start3A_44 = arith.constant 0 : i32
      %dma_start3A_45 = arith.constant 0 : i32
      %dma_start3A_46 = tpu.memref_slice %arg7[%dma_start3A_44, %dma_start3A_45] : memref<128x128xf32, #tpu.memory_space<vmem>> -> memref<128x128xf32, #tpu.memory_space<vmem>>
      %dma_start3A_47 = arith.constant 128 : i32
      %dma_start3A_48 = tpu.memref_slice %arg5[%dma_start3A_47] : memref<560xi32, #tpu.memory_space<vmem>> -> memref<128xi32, #tpu.memory_space<vmem>>
      %dma_start3A_49 = arith.constant 0 : i32
      %dma_start3A_50 = arith.constant 0 : i32
      %dma_start3A_51 = tpu.memref_slice %arg3[%dma_start3A_49, %dma_start3A_50] : memref<1000000x128xf32, #tpu.memory_space<hbm>> -> memref<1000000x128xf32, #tpu.memory_space<hbm>>
      tpu.enqueue_indirect_dma source(%dma_start3A_51 : memref<1000000x128xf32, #tpu.memory_space<hbm>>) target(%dma_start3A_46 : memref<128x128xf32, #tpu.memory_space<vmem>>) offsets(%dma_start3A_48 : memref<128xi32, #tpu.memory_space<vmem>>) semaphore(%arg11 : memref<!tpu.dma_semaphore, #tpu.memory_space<semaphore_mem>>)
      %broadcast_in_dim3A = arith.constant 0.000000e+00 : f32
      %broadcast_in_dim3A_52 = vector.broadcast %broadcast_in_dim3A : f32 to vector<16xf32>
      %broadcast_in_dim3A_53 = arith.constant 0.000000e+00 : f32
      %broadcast_in_dim3A_54 = vector.broadcast %broadcast_in_dim3A_53 : f32 to vector<16xf32>
      %broadcast_in_dim3A_55 = arith.constant 0.000000e+00 : f32
      %broadcast_in_dim3A_56 = vector.broadcast %broadcast_in_dim3A_55 : f32 to vector<16xf32>
      %broadcast_in_dim3A_57 = arith.constant 0.000000e+00 : f32
      %broadcast_in_dim3A_58 = vector.broadcast %broadcast_in_dim3A_57 : f32 to vector<16xf32>
      %broadcast_in_dim3A_59 = arith.constant 0.000000e+00 : f32
      %broadcast_in_dim3A_60 = vector.broadcast %broadcast_in_dim3A_59 : f32 to vector<16xf32>
      %broadcast_in_dim3A_61 = arith.constant 0.000000e+00 : f32
      %broadcast_in_dim3A_62 = vector.broadcast %broadcast_in_dim3A_61 : f32 to vector<16xf32>
      %broadcast_in_dim3A_63 = arith.constant 0.000000e+00 : f32
      %broadcast_in_dim3A_64 = vector.broadcast %broadcast_in_dim3A_63 : f32 to vector<16xf32>
      %broadcast_in_dim3A_65 = arith.constant 0.000000e+00 : f32
      %broadcast_in_dim3A_66 = vector.broadcast %broadcast_in_dim3A_65 : f32 to vector<16xf32>
      %dma_wait3A_67 = arith.constant 0 : i32
      %dma_wait3A_68 = arith.constant 0 : i32
      %dma_wait3A_69 = tpu.memref_slice %arg6[%dma_wait3A_67, %dma_wait3A_68] : memref<128x128xf32, #tpu.memory_space<vmem>> -> memref<128x128xf32, #tpu.memory_space<vmem>>
      %dma_wait3A_70 = arith.constant 0 : i32
      %dma_wait3A_71 = tpu.memref_slice %arg5[%dma_wait3A_70] : memref<560xi32, #tpu.memory_space<vmem>> -> memref<128xi32, #tpu.memory_space<vmem>>
      %dma_wait3A_72 = arith.constant 0 : i32
      %dma_wait3A_73 = arith.constant 0 : i32
      %dma_wait3A_74 = tpu.memref_slice %arg3[%dma_wait3A_72, %dma_wait3A_73] : memref<1000000x128xf32, #tpu.memory_space<hbm>> -> memref<1000000x128xf32, #tpu.memory_space<hbm>>
      tpu.wait_indirect_dma semaphore(%arg10 : memref<!tpu.dma_semaphore, #tpu.memory_space<semaphore_mem>>) src(%dma_wait3A_74 : memref<1000000x128xf32, #tpu.memory_space<hbm>>) dst(%dma_wait3A_69 : memref<128x128xf32, #tpu.memory_space<vmem>>)
      %dma_start3A_75 = arith.constant 0 : i32
      %dma_start3A_76 = arith.constant 0 : i32
      %dma_start3A_77 = tpu.memref_slice %arg6[%dma_start3A_75, %dma_start3A_76] : memref<128x128xf32, #tpu.memory_space<vmem>> -> memref<128x128xf32, #tpu.memory_space<vmem>>
      %dma_start3A_78 = arith.constant 256 : i32
      %dma_start3A_79 = tpu.memref_slice %arg5[%dma_start3A_78] : memref<560xi32, #tpu.memory_space<vmem>> -> memref<128xi32, #tpu.memory_space<vmem>>
      %dma_start3A_80 = arith.constant 0 : i32
      %dma_start3A_81 = arith.constant 0 : i32
      %dma_start3A_82 = tpu.memref_slice %arg3[%dma_start3A_80, %dma_start3A_81] : memref<1000000x128xf32, #tpu.memory_space<hbm>> -> memref<1000000x128xf32, #tpu.memory_space<hbm>>
      tpu.enqueue_indirect_dma source(%dma_start3A_82 : memref<1000000x128xf32, #tpu.memory_space<hbm>>) target(%dma_start3A_77 : memref<128x128xf32, #tpu.memory_space<vmem>>) offsets(%dma_start3A_79 : memref<128xi32, #tpu.memory_space<vmem>>) semaphore(%arg10 : memref<!tpu.dma_semaphore, #tpu.memory_space<semaphore_mem>>)
      %parallel_loop3A = arith.constant 0 : i32
      %parallel_loop3A_83 = arith.constant 128 : i32
      %parallel_loop3A_84 = arith.constant 1 : i32
      %parallel_loop3A_85:8 = scf.for %parallel_loop3A_181 = %parallel_loop3A to %parallel_loop3A_83 step %parallel_loop3A_84 iter_args(%parallel_loop3A_182 = %broadcast_in_dim3A_52, %parallel_loop3A_183 = %broadcast_in_dim3A_54, %parallel_loop3A_184 = %broadcast_in_dim3A_56, %parallel_loop3A_185 = %broadcast_in_dim3A_58, %parallel_loop3A_186 = %broadcast_in_dim3A_60, %parallel_loop3A_187 = %broadcast_in_dim3A_62, %parallel_loop3A_188 = %broadcast_in_dim3A_64, %parallel_loop3A_189 = %broadcast_in_dim3A_66) -> (vector<16xf32>, vector<16xf32>, vector<16xf32>, vector<16xf32>, vector<16xf32>, vector<16xf32>, vector<16xf32>, vector<16xf32>)  : i32 {
        %parallel_loop3A_190 = arith.index_cast %parallel_loop3A_181 : i32 to index
        %parallel_loop3A_191 = arith.constant 0 : index
        %parallel_loop3A_192 = tpu.vector_load %arg6[%parallel_loop3A_190, %parallel_loop3A_191] {strides = array<i32>} : memref<128x128xf32, #tpu.memory_space<vmem>>, vector<1x16xf32>,
        %parallel_loop3A_193 = vector.shape_cast %parallel_loop3A_192 : vector<1x16xf32> to vector<16xf32>
        %parallel_loop3A_194 = arith.addf %parallel_loop3A_182, %parallel_loop3A_193 : vector<16xf32>
        %parallel_loop3A_195 = arith.index_cast %parallel_loop3A_181 : i32 to index
        %parallel_loop3A_196 = arith.constant 16 : index
        %parallel_loop3A_197 = tpu.vector_load %arg6[%parallel_loop3A_195, %parallel_loop3A_196] {strides = array<i32>} : memref<128x128xf32, #tpu.memory_space<vmem>>, vector<1x16xf32>,
        %parallel_loop3A_198 = vector.shape_cast %parallel_loop3A_197 : vector<1x16xf32> to vector<16xf32>
        %parallel_loop3A_199 = arith.addf %parallel_loop3A_183, %parallel_loop3A_198 : vector<16xf32>
        %parallel_loop3A_200 = arith.index_cast %parallel_loop3A_181 : i32 to index
        %parallel_loop3A_201 = arith.constant 32 : index
        %parallel_loop3A_202 = tpu.vector_load %arg6[%parallel_loop3A_200, %parallel_loop3A_201] {strides = array<i32>} : memref<128x128xf32, #tpu.memory_space<vmem>>, vector<1x16xf32>,
        %parallel_loop3A_203 = vector.shape_cast %parallel_loop3A_202 : vector<1x16xf32> to vector<16xf32>
        %parallel_loop3A_204 = arith.addf %parallel_loop3A_184, %parallel_loop3A_203 : vector<16xf32>
        %parallel_loop3A_205 = arith.index_cast %parallel_loop3A_181 : i32 to index
        %parallel_loop3A_206 = arith.constant 48 : index
        %parallel_loop3A_207 = tpu.vector_load %arg6[%parallel_loop3A_205, %parallel_loop3A_206] {strides = array<i32>} : memref<128x128xf32, #tpu.memory_space<vmem>>, vector<1x16xf32>,
        %parallel_loop3A_208 = vector.shape_cast %parallel_loop3A_207 : vector<1x16xf32> to vector<16xf32>
        %parallel_loop3A_209 = arith.addf %parallel_loop3A_185, %parallel_loop3A_208 : vector<16xf32>
        %parallel_loop3A_210 = arith.index_cast %parallel_loop3A_181 : i32 to index
        %parallel_loop3A_211 = arith.constant 64 : index
        %parallel_loop3A_212 = tpu.vector_load %arg6[%parallel_loop3A_210, %parallel_loop3A_211] {strides = array<i32>} : memref<128x128xf32, #tpu.memory_space<vmem>>, vector<1x16xf32>,
        %parallel_loop3A_213 = vector.shape_cast %parallel_loop3A_212 : vector<1x16xf32> to vector<16xf32>
        %parallel_loop3A_214 = arith.addf %parallel_loop3A_186, %parallel_loop3A_213 : vector<16xf32>
        %parallel_loop3A_215 = arith.index_cast %parallel_loop3A_181 : i32 to index
        %parallel_loop3A_216 = arith.constant 80 : index
        %parallel_loop3A_217 = tpu.vector_load %arg6[%parallel_loop3A_215, %parallel_loop3A_216] {strides = array<i32>} : memref<128x128xf32, #tpu.memory_space<vmem>>, vector<1x16xf32>,
        %parallel_loop3A_218 = vector.shape_cast %parallel_loop3A_217 : vector<1x16xf32> to vector<16xf32>
        %parallel_loop3A_219 = arith.addf %parallel_loop3A_187, %parallel_loop3A_218 : vector<16xf32>
        %parallel_loop3A_220 = arith.index_cast %parallel_loop3A_181 : i32 to index
        %parallel_loop3A_221 = arith.constant 96 : index
        %parallel_loop3A_222 = tpu.vector_load %arg6[%parallel_loop3A_220, %parallel_loop3A_221] {strides = array<i32>} : memref<128x128xf32, #tpu.memory_space<vmem>>, vector<1x16xf32>,
        %parallel_loop3A_223 = vector.shape_cast %parallel_loop3A_222 : vector<1x16xf32> to vector<16xf32>
        %parallel_loop3A_224 = arith.addf %parallel_loop3A_188, %parallel_loop3A_223 : vector<16xf32>
        %parallel_loop3A_225 = arith.index_cast %parallel_loop3A_181 : i32 to index
        %parallel_loop3A_226 = arith.constant 112 : index
        %parallel_loop3A_227 = tpu.vector_load %arg6[%parallel_loop3A_225, %parallel_loop3A_226] {strides = array<i32>} : memref<128x128xf32, #tpu.memory_space<vmem>>, vector<1x16xf32>,
        %parallel_loop3A_228 = vector.shape_cast %parallel_loop3A_227 : vector<1x16xf32> to vector<16xf32>
        %parallel_loop3A_229 = arith.addf %parallel_loop3A_189, %parallel_loop3A_228 : vector<16xf32>
        scf.yield %parallel_loop3A_194, %parallel_loop3A_199, %parallel_loop3A_204, %parallel_loop3A_209, %parallel_loop3A_214, %parallel_loop3A_219, %parallel_loop3A_224, %parallel_loop3A_229 : vector<16xf32>, vector<16xf32>, vector<16xf32>, vector<16xf32>, vector<16xf32>, vector<16xf32>, vector<16xf32>, vector<16xf32>
      } {sc.loop_unroll_factor = 2 : i64, sc.parallel_access}
      %dma_wait3A_86 = arith.constant 0 : i32
      %dma_wait3A_87 = arith.constant 0 : i32
      %dma_wait3A_88 = tpu.memref_slice %arg7[%dma_wait3A_86, %dma_wait3A_87] : memref<128x128xf32, #tpu.memory_space<vmem>> -> memref<128x128xf32, #tpu.memory_space<vmem>>
      %dma_wait3A_89 = arith.constant 128 : i32
      %dma_wait3A_90 = tpu.memref_slice %arg5[%dma_wait3A_89] : memref<560xi32, #tpu.memory_space<vmem>> -> memref<128xi32, #tpu.memory_space<vmem>>
      %dma_wait3A_91 = arith.constant 0 : i32
      %dma_wait3A_92 = arith.constant 0 : i32
      %dma_wait3A_93 = tpu.memref_slice %arg3[%dma_wait3A_91, %dma_wait3A_92] : memref<1000000x128xf32, #tpu.memory_space<hbm>> -> memref<1000000x128xf32, #tpu.memory_space<hbm>>
      tpu.wait_indirect_dma semaphore(%arg11 : memref<!tpu.dma_semaphore, #tpu.memory_space<semaphore_mem>>) src(%dma_wait3A_93 : memref<1000000x128xf32, #tpu.memory_space<hbm>>) dst(%dma_wait3A_88 : memref<128x128xf32, #tpu.memory_space<vmem>>)
      %dma_start3A_94 = arith.constant 0 : i32
      %dma_start3A_95 = arith.constant 0 : i32
      %dma_start3A_96 = tpu.memref_slice %arg7[%dma_start3A_94, %dma_start3A_95] : memref<128x128xf32, #tpu.memory_space<vmem>> -> memref<128x128xf32, #tpu.memory_space<vmem>>
      %dma_start3A_97 = arith.constant 384 : i32
      %dma_start3A_98 = tpu.memref_slice %arg5[%dma_start3A_97] : memref<560xi32, #tpu.memory_space<vmem>> -> memref<128xi32, #tpu.memory_space<vmem>>
      %dma_start3A_99 = arith.constant 0 : i32
      %dma_start3A_100 = arith.constant 0 : i32
      %dma_start3A_101 = tpu.memref_slice %arg3[%dma_start3A_99, %dma_start3A_100] : memref<1000000x128xf32, #tpu.memory_space<hbm>> -> memref<1000000x128xf32, #tpu.memory_space<hbm>>
      tpu.enqueue_indirect_dma source(%dma_start3A_101 : memref<1000000x128xf32, #tpu.memory_space<hbm>>) target(%dma_start3A_96 : memref<128x128xf32, #tpu.memory_space<vmem>>) offsets(%dma_start3A_98 : memref<128xi32, #tpu.memory_space<vmem>>) semaphore(%arg11 : memref<!tpu.dma_semaphore, #tpu.memory_space<semaphore_mem>>)
      %parallel_loop3A_102 = arith.constant 0 : i32
      %parallel_loop3A_103 = arith.constant 128 : i32
      %parallel_loop3A_104 = arith.constant 1 : i32
      %parallel_loop3A_105:8 = scf.for %parallel_loop3A_181 = %parallel_loop3A_102 to %parallel_loop3A_103 step %parallel_loop3A_104 iter_args(%parallel_loop3A_182 = %parallel_loop3A_85#0, %parallel_loop3A_183 = %parallel_loop3A_85#1, %parallel_loop3A_184 = %parallel_loop3A_85#2, %parallel_loop3A_185 = %parallel_loop3A_85#3, %parallel_loop3A_186 = %parallel_loop3A_85#4, %parallel_loop3A_187 = %parallel_loop3A_85#5, %parallel_loop3A_188 = %parallel_loop3A_85#6, %parallel_loop3A_189 = %parallel_loop3A_85#7) -> (vector<16xf32>, vector<16xf32>, vector<16xf32>, vector<16xf32>, vector<16xf32>, vector<16xf32>, vector<16xf32>, vector<16xf32>)  : i32 {
        %parallel_loop3A_190 = arith.index_cast %parallel_loop3A_181 : i32 to index
        %parallel_loop3A_191 = arith.constant 0 : index
        %parallel_loop3A_192 = tpu.vector_load %arg7[%parallel_loop3A_190, %parallel_loop3A_191] {strides = array<i32>} : memref<128x128xf32, #tpu.memory_space<vmem>>, vector<1x16xf32>,
        %parallel_loop3A_193 = vector.shape_cast %parallel_loop3A_192 : vector<1x16xf32> to vector<16xf32>
        %parallel_loop3A_194 = arith.addf %parallel_loop3A_182, %parallel_loop3A_193 : vector<16xf32>
        %parallel_loop3A_195 = arith.index_cast %parallel_loop3A_181 : i32 to index
        %parallel_loop3A_196 = arith.constant 16 : index
        %parallel_loop3A_197 = tpu.vector_load %arg7[%parallel_loop3A_195, %parallel_loop3A_196] {strides = array<i32>} : memref<128x128xf32, #tpu.memory_space<vmem>>, vector<1x16xf32>,
        %parallel_loop3A_198 = vector.shape_cast %parallel_loop3A_197 : vector<1x16xf32> to vector<16xf32>
        %parallel_loop3A_199 = arith.addf %parallel_loop3A_183, %parallel_loop3A_198 : vector<16xf32>
        %parallel_loop3A_200 = arith.index_cast %parallel_loop3A_181 : i32 to index
        %parallel_loop3A_201 = arith.constant 32 : index
        %parallel_loop3A_202 = tpu.vector_load %arg7[%parallel_loop3A_200, %parallel_loop3A_201] {strides = array<i32>} : memref<128x128xf32, #tpu.memory_space<vmem>>, vector<1x16xf32>,
        %parallel_loop3A_203 = vector.shape_cast %parallel_loop3A_202 : vector<1x16xf32> to vector<16xf32>
        %parallel_loop3A_204 = arith.addf %parallel_loop3A_184, %parallel_loop3A_203 : vector<16xf32>
        %parallel_loop3A_205 = arith.index_cast %parallel_loop3A_181 : i32 to index
        %parallel_loop3A_206 = arith.constant 48 : index
        %parallel_loop3A_207 = tpu.vector_load %arg7[%parallel_loop3A_205, %parallel_loop3A_206] {strides = array<i32>} : memref<128x128xf32, #tpu.memory_space<vmem>>, vector<1x16xf32>,
        %parallel_loop3A_208 = vector.shape_cast %parallel_loop3A_207 : vector<1x16xf32> to vector<16xf32>
        %parallel_loop3A_209 = arith.addf %parallel_loop3A_185, %parallel_loop3A_208 : vector<16xf32>
        %parallel_loop3A_210 = arith.index_cast %parallel_loop3A_181 : i32 to index
        %parallel_loop3A_211 = arith.constant 64 : index
        %parallel_loop3A_212 = tpu.vector_load %arg7[%parallel_loop3A_210, %parallel_loop3A_211] {strides = array<i32>} : memref<128x128xf32, #tpu.memory_space<vmem>>, vector<1x16xf32>,
        %parallel_loop3A_213 = vector.shape_cast %parallel_loop3A_212 : vector<1x16xf32> to vector<16xf32>
        %parallel_loop3A_214 = arith.addf %parallel_loop3A_186, %parallel_loop3A_213 : vector<16xf32>
        %parallel_loop3A_215 = arith.index_cast %parallel_loop3A_181 : i32 to index
        %parallel_loop3A_216 = arith.constant 80 : index
        %parallel_loop3A_217 = tpu.vector_load %arg7[%parallel_loop3A_215, %parallel_loop3A_216] {strides = array<i32>} : memref<128x128xf32, #tpu.memory_space<vmem>>, vector<1x16xf32>,
        %parallel_loop3A_218 = vector.shape_cast %parallel_loop3A_217 : vector<1x16xf32> to vector<16xf32>
        %parallel_loop3A_219 = arith.addf %parallel_loop3A_187, %parallel_loop3A_218 : vector<16xf32>
        %parallel_loop3A_220 = arith.index_cast %parallel_loop3A_181 : i32 to index
        %parallel_loop3A_221 = arith.constant 96 : index
        %parallel_loop3A_222 = tpu.vector_load %arg7[%parallel_loop3A_220, %parallel_loop3A_221] {strides = array<i32>} : memref<128x128xf32, #tpu.memory_space<vmem>>, vector<1x16xf32>,
        %parallel_loop3A_223 = vector.shape_cast %parallel_loop3A_222 : vector<1x16xf32> to vector<16xf32>
        %parallel_loop3A_224 = arith.addf %parallel_loop3A_188, %parallel_loop3A_223 : vector<16xf32>
        %parallel_loop3A_225 = arith.index_cast %parallel_loop3A_181 : i32 to index
        %parallel_loop3A_226 = arith.constant 112 : index
        %parallel_loop3A_227 = tpu.vector_load %arg7[%parallel_loop3A_225, %parallel_loop3A_226] {strides = array<i32>} : memref<128x128xf32, #tpu.memory_space<vmem>>, vector<1x16xf32>,
        %parallel_loop3A_228 = vector.shape_cast %parallel_loop3A_227 : vector<1x16xf32> to vector<16xf32>
        %parallel_loop3A_229 = arith.addf %parallel_loop3A_189, %parallel_loop3A_228 : vector<16xf32>
        scf.yield %parallel_loop3A_194, %parallel_loop3A_199, %parallel_loop3A_204, %parallel_loop3A_209, %parallel_loop3A_214, %parallel_loop3A_219, %parallel_loop3A_224, %parallel_loop3A_229 : vector<16xf32>, vector<16xf32>, vector<16xf32>, vector<16xf32>, vector<16xf32>, vector<16xf32>, vector<16xf32>, vector<16xf32>
      } {sc.loop_unroll_factor = 2 : i64, sc.parallel_access}
      %dma_wait3A_106 = arith.constant 0 : i32
      %dma_wait3A_107 = arith.constant 0 : i32
      %dma_wait3A_108 = tpu.memref_slice %arg6[%dma_wait3A_106, %dma_wait3A_107] : memref<128x128xf32, #tpu.memory_space<vmem>> -> memref<128x128xf32, #tpu.memory_space<vmem>>
      %dma_wait3A_109 = arith.constant 256 : i32
      %dma_wait3A_110 = tpu.memref_slice %arg5[%dma_wait3A_109] : memref<560xi32, #tpu.memory_space<vmem>> -> memref<128xi32, #tpu.memory_space<vmem>>
      %dma_wait3A_111 = arith.constant 0 : i32
      %dma_wait3A_112 = arith.constant 0 : i32
      %dma_wait3A_113 = tpu.memref_slice %arg3[%dma_wait3A_111, %dma_wait3A_112] : memref<1000000x128xf32, #tpu.memory_space<hbm>> -> memref<1000000x128xf32, #tpu.memory_space<hbm>>
      tpu.wait_indirect_dma semaphore(%arg10 : memref<!tpu.dma_semaphore, #tpu.memory_space<semaphore_mem>>) src(%dma_wait3A_113 : memref<1000000x128xf32, #tpu.memory_space<hbm>>) dst(%dma_wait3A_108 : memref<128x128xf32, #tpu.memory_space<vmem>>)
      %dma_start3A_114 = arith.constant 0 : i32
      %dma_start3A_115 = arith.constant 0 : i32
      %dma_start3A_116 = tpu.memref_slice %arg8[%dma_start3A_114, %dma_start3A_115] : memref<48x128xf32, #tpu.memory_space<vmem>> -> memref<48x128xf32, #tpu.memory_space<vmem>>
      %dma_start3A_117 = arith.constant 512 : i32
      %dma_start3A_118 = tpu.memref_slice %arg5[%dma_start3A_117] : memref<560xi32, #tpu.memory_space<vmem>> -> memref<48xi32, #tpu.memory_space<vmem>>
      %dma_start3A_119 = arith.constant 0 : i32
      %dma_start3A_120 = arith.constant 0 : i32
      %dma_start3A_121 = tpu.memref_slice %arg3[%dma_start3A_119, %dma_start3A_120] : memref<1000000x128xf32, #tpu.memory_space<hbm>> -> memref<1000000x128xf32, #tpu.memory_space<hbm>>
      tpu.enqueue_indirect_dma source(%dma_start3A_121 : memref<1000000x128xf32, #tpu.memory_space<hbm>>) target(%dma_start3A_116 : memref<48x128xf32, #tpu.memory_space<vmem>>) offsets(%dma_start3A_118 : memref<48xi32, #tpu.memory_space<vmem>>) semaphore(%arg13 : memref<!tpu.dma_semaphore, #tpu.memory_space<semaphore_mem>>)
      %parallel_loop3A_122 = arith.constant 0 : i32
      %parallel_loop3A_123 = arith.constant 128 : i32
      %parallel_loop3A_124 = arith.constant 1 : i32
      %parallel_loop3A_125:8 = scf.for %parallel_loop3A_181 = %parallel_loop3A_122 to %parallel_loop3A_123 step %parallel_loop3A_124 iter_args(%parallel_loop3A_182 = %parallel_loop3A_105#0, %parallel_loop3A_183 = %parallel_loop3A_105#1, %parallel_loop3A_184 = %parallel_loop3A_105#2, %parallel_loop3A_185 = %parallel_loop3A_105#3, %parallel_loop3A_186 = %parallel_loop3A_105#4, %parallel_loop3A_187 = %parallel_loop3A_105#5, %parallel_loop3A_188 = %parallel_loop3A_105#6, %parallel_loop3A_189 = %parallel_loop3A_105#7) -> (vector<16xf32>, vector<16xf32>, vector<16xf32>, vector<16xf32>, vector<16xf32>, vector<16xf32>, vector<16xf32>, vector<16xf32>)  : i32 {
        %parallel_loop3A_190 = arith.index_cast %parallel_loop3A_181 : i32 to index
        %parallel_loop3A_191 = arith.constant 0 : index
        %parallel_loop3A_192 = tpu.vector_load %arg6[%parallel_loop3A_190, %parallel_loop3A_191] {strides = array<i32>} : memref<128x128xf32, #tpu.memory_space<vmem>>, vector<1x16xf32>,
        %parallel_loop3A_193 = vector.shape_cast %parallel_loop3A_192 : vector<1x16xf32> to vector<16xf32>
        %parallel_loop3A_194 = arith.addf %parallel_loop3A_182, %parallel_loop3A_193 : vector<16xf32>
        %parallel_loop3A_195 = arith.index_cast %parallel_loop3A_181 : i32 to index
        %parallel_loop3A_196 = arith.constant 16 : index
        %parallel_loop3A_197 = tpu.vector_load %arg6[%parallel_loop3A_195, %parallel_loop3A_196] {strides = array<i32>} : memref<128x128xf32, #tpu.memory_space<vmem>>, vector<1x16xf32>,
        %parallel_loop3A_198 = vector.shape_cast %parallel_loop3A_197 : vector<1x16xf32> to vector<16xf32>
        %parallel_loop3A_199 = arith.addf %parallel_loop3A_183, %parallel_loop3A_198 : vector<16xf32>
        %parallel_loop3A_200 = arith.index_cast %parallel_loop3A_181 : i32 to index
        %parallel_loop3A_201 = arith.constant 32 : index
        %parallel_loop3A_202 = tpu.vector_load %arg6[%parallel_loop3A_200, %parallel_loop3A_201] {strides = array<i32>} : memref<128x128xf32, #tpu.memory_space<vmem>>, vector<1x16xf32>,
        %parallel_loop3A_203 = vector.shape_cast %parallel_loop3A_202 : vector<1x16xf32> to vector<16xf32>
        %parallel_loop3A_204 = arith.addf %parallel_loop3A_184, %parallel_loop3A_203 : vector<16xf32>
        %parallel_loop3A_205 = arith.index_cast %parallel_loop3A_181 : i32 to index
        %parallel_loop3A_206 = arith.constant 48 : index
        %parallel_loop3A_207 = tpu.vector_load %arg6[%parallel_loop3A_205, %parallel_loop3A_206] {strides = array<i32>} : memref<128x128xf32, #tpu.memory_space<vmem>>, vector<1x16xf32>,
        %parallel_loop3A_208 = vector.shape_cast %parallel_loop3A_207 : vector<1x16xf32> to vector<16xf32>
        %parallel_loop3A_209 = arith.addf %parallel_loop3A_185, %parallel_loop3A_208 : vector<16xf32>
        %parallel_loop3A_210 = arith.index_cast %parallel_loop3A_181 : i32 to index
        %parallel_loop3A_211 = arith.constant 64 : index
        %parallel_loop3A_212 = tpu.vector_load %arg6[%parallel_loop3A_210, %parallel_loop3A_211] {strides = array<i32>} : memref<128x128xf32, #tpu.memory_space<vmem>>, vector<1x16xf32>,
        %parallel_loop3A_213 = vector.shape_cast %parallel_loop3A_212 : vector<1x16xf32> to vector<16xf32>
        %parallel_loop3A_214 = arith.addf %parallel_loop3A_186, %parallel_loop3A_213 : vector<16xf32>
        %parallel_loop3A_215 = arith.index_cast %parallel_loop3A_181 : i32 to index
        %parallel_loop3A_216 = arith.constant 80 : index
        %parallel_loop3A_217 = tpu.vector_load %arg6[%parallel_loop3A_215, %parallel_loop3A_216] {strides = array<i32>} : memref<128x128xf32, #tpu.memory_space<vmem>>, vector<1x16xf32>,
        %parallel_loop3A_218 = vector.shape_cast %parallel_loop3A_217 : vector<1x16xf32> to vector<16xf32>
        %parallel_loop3A_219 = arith.addf %parallel_loop3A_187, %parallel_loop3A_218 : vector<16xf32>
        %parallel_loop3A_220 = arith.index_cast %parallel_loop3A_181 : i32 to index
        %parallel_loop3A_221 = arith.constant 96 : index
        %parallel_loop3A_222 = tpu.vector_load %arg6[%parallel_loop3A_220, %parallel_loop3A_221] {strides = array<i32>} : memref<128x128xf32, #tpu.memory_space<vmem>>, vector<1x16xf32>,
        %parallel_loop3A_223 = vector.shape_cast %parallel_loop3A_222 : vector<1x16xf32> to vector<16xf32>
        %parallel_loop3A_224 = arith.addf %parallel_loop3A_188, %parallel_loop3A_223 : vector<16xf32>
        %parallel_loop3A_225 = arith.index_cast %parallel_loop3A_181 : i32 to index
        %parallel_loop3A_226 = arith.constant 112 : index
        %parallel_loop3A_227 = tpu.vector_load %arg6[%parallel_loop3A_225, %parallel_loop3A_226] {strides = array<i32>} : memref<128x128xf32, #tpu.memory_space<vmem>>, vector<1x16xf32>,
        %parallel_loop3A_228 = vector.shape_cast %parallel_loop3A_227 : vector<1x16xf32> to vector<16xf32>
        %parallel_loop3A_229 = arith.addf %parallel_loop3A_189, %parallel_loop3A_228 : vector<16xf32>
        scf.yield %parallel_loop3A_194, %parallel_loop3A_199, %parallel_loop3A_204, %parallel_loop3A_209, %parallel_loop3A_214, %parallel_loop3A_219, %parallel_loop3A_224, %parallel_loop3A_229 : vector<16xf32>, vector<16xf32>, vector<16xf32>, vector<16xf32>, vector<16xf32>, vector<16xf32>, vector<16xf32>, vector<16xf32>
      } {sc.loop_unroll_factor = 2 : i64, sc.parallel_access}
      %dma_wait3A_126 = arith.constant 0 : i32
      %dma_wait3A_127 = arith.constant 0 : i32
      %dma_wait3A_128 = tpu.memref_slice %arg7[%dma_wait3A_126, %dma_wait3A_127] : memref<128x128xf32, #tpu.memory_space<vmem>> -> memref<128x128xf32, #tpu.memory_space<vmem>>
      %dma_wait3A_129 = arith.constant 384 : i32
      %dma_wait3A_130 = tpu.memref_slice %arg5[%dma_wait3A_129] : memref<560xi32, #tpu.memory_space<vmem>> -> memref<128xi32, #tpu.memory_space<vmem>>
      %dma_wait3A_131 = arith.constant 0 : i32
      %dma_wait3A_132 = arith.constant 0 : i32
      %dma_wait3A_133 = tpu.memref_slice %arg3[%dma_wait3A_131, %dma_wait3A_132] : memref<1000000x128xf32, #tpu.memory_space<hbm>> -> memref<1000000x128xf32, #tpu.memory_space<hbm>>
      tpu.wait_indirect_dma semaphore(%arg11 : memref<!tpu.dma_semaphore, #tpu.memory_space<semaphore_mem>>) src(%dma_wait3A_133 : memref<1000000x128xf32, #tpu.memory_space<hbm>>) dst(%dma_wait3A_128 : memref<128x128xf32, #tpu.memory_space<vmem>>)
      %parallel_loop3A_134 = arith.constant 0 : i32
      %parallel_loop3A_135 = arith.constant 128 : i32
      %parallel_loop3A_136 = arith.constant 1 : i32
      %parallel_loop3A_137:8 = scf.for %parallel_loop3A_181 = %parallel_loop3A_134 to %parallel_loop3A_135 step %parallel_loop3A_136 iter_args(%parallel_loop3A_182 = %parallel_loop3A_125#0, %parallel_loop3A_183 = %parallel_loop3A_125#1, %parallel_loop3A_184 = %parallel_loop3A_125#2, %parallel_loop3A_185 = %parallel_loop3A_125#3, %parallel_loop3A_186 = %parallel_loop3A_125#4, %parallel_loop3A_187 = %parallel_loop3A_125#5, %parallel_loop3A_188 = %parallel_loop3A_125#6, %parallel_loop3A_189 = %parallel_loop3A_125#7) -> (vector<16xf32>, vector<16xf32>, vector<16xf32>, vector<16xf32>, vector<16xf32>, vector<16xf32>, vector<16xf32>, vector<16xf32>)  : i32 {
        %parallel_loop3A_190 = arith.index_cast %parallel_loop3A_181 : i32 to index
        %parallel_loop3A_191 = arith.constant 0 : index
        %parallel_loop3A_192 = tpu.vector_load %arg7[%parallel_loop3A_190, %parallel_loop3A_191] {strides = array<i32>} : memref<128x128xf32, #tpu.memory_space<vmem>>, vector<1x16xf32>,
        %parallel_loop3A_193 = vector.shape_cast %parallel_loop3A_192 : vector<1x16xf32> to vector<16xf32>
        %parallel_loop3A_194 = arith.addf %parallel_loop3A_182, %parallel_loop3A_193 : vector<16xf32>
        %parallel_loop3A_195 = arith.index_cast %parallel_loop3A_181 : i32 to index
        %parallel_loop3A_196 = arith.constant 16 : index
        %parallel_loop3A_197 = tpu.vector_load %arg7[%parallel_loop3A_195, %parallel_loop3A_196] {strides = array<i32>} : memref<128x128xf32, #tpu.memory_space<vmem>>, vector<1x16xf32>,
        %parallel_loop3A_198 = vector.shape_cast %parallel_loop3A_197 : vector<1x16xf32> to vector<16xf32>
        %parallel_loop3A_199 = arith.addf %parallel_loop3A_183, %parallel_loop3A_198 : vector<16xf32>
        %parallel_loop3A_200 = arith.index_cast %parallel_loop3A_181 : i32 to index
        %parallel_loop3A_201 = arith.constant 32 : index
        %parallel_loop3A_202 = tpu.vector_load %arg7[%parallel_loop3A_200, %parallel_loop3A_201] {strides = array<i32>} : memref<128x128xf32, #tpu.memory_space<vmem>>, vector<1x16xf32>,
        %parallel_loop3A_203 = vector.shape_cast %parallel_loop3A_202 : vector<1x16xf32> to vector<16xf32>
        %parallel_loop3A_204 = arith.addf %parallel_loop3A_184, %parallel_loop3A_203 : vector<16xf32>
        %parallel_loop3A_205 = arith.index_cast %parallel_loop3A_181 : i32 to index
        %parallel_loop3A_206 = arith.constant 48 : index
        %parallel_loop3A_207 = tpu.vector_load %arg7[%parallel_loop3A_205, %parallel_loop3A_206] {strides = array<i32>} : memref<128x128xf32, #tpu.memory_space<vmem>>, vector<1x16xf32>,
        %parallel_loop3A_208 = vector.shape_cast %parallel_loop3A_207 : vector<1x16xf32> to vector<16xf32>
        %parallel_loop3A_209 = arith.addf %parallel_loop3A_185, %parallel_loop3A_208 : vector<16xf32>
        %parallel_loop3A_210 = arith.index_cast %parallel_loop3A_181 : i32 to index
        %parallel_loop3A_211 = arith.constant 64 : index
        %parallel_loop3A_212 = tpu.vector_load %arg7[%parallel_loop3A_210, %parallel_loop3A_211] {strides = array<i32>} : memref<128x128xf32, #tpu.memory_space<vmem>>, vector<1x16xf32>,
        %parallel_loop3A_213 = vector.shape_cast %parallel_loop3A_212 : vector<1x16xf32> to vector<16xf32>
        %parallel_loop3A_214 = arith.addf %parallel_loop3A_186, %parallel_loop3A_213 : vector<16xf32>
        %parallel_loop3A_215 = arith.index_cast %parallel_loop3A_181 : i32 to index
        %parallel_loop3A_216 = arith.constant 80 : index
        %parallel_loop3A_217 = tpu.vector_load %arg7[%parallel_loop3A_215, %parallel_loop3A_216] {strides = array<i32>} : memref<128x128xf32, #tpu.memory_space<vmem>>, vector<1x16xf32>,
        %parallel_loop3A_218 = vector.shape_cast %parallel_loop3A_217 : vector<1x16xf32> to vector<16xf32>
        %parallel_loop3A_219 = arith.addf %parallel_loop3A_187, %parallel_loop3A_218 : vector<16xf32>
        %parallel_loop3A_220 = arith.index_cast %parallel_loop3A_181 : i32 to index
        %parallel_loop3A_221 = arith.constant 96 : index
        %parallel_loop3A_222 = tpu.vector_load %arg7[%parallel_loop3A_220, %parallel_loop3A_221] {strides = array<i32>} : memref<128x128xf32, #tpu.memory_space<vmem>>, vector<1x16xf32>,
        %parallel_loop3A_223 = vector.shape_cast %parallel_loop3A_222 : vector<1x16xf32> to vector<16xf32>
        %parallel_loop3A_224 = arith.addf %parallel_loop3A_188, %parallel_loop3A_223 : vector<16xf32>
        %parallel_loop3A_225 = arith.index_cast %parallel_loop3A_181 : i32 to index
        %parallel_loop3A_226 = arith.constant 112 : index
        %parallel_loop3A_227 = tpu.vector_load %arg7[%parallel_loop3A_225, %parallel_loop3A_226] {strides = array<i32>} : memref<128x128xf32, #tpu.memory_space<vmem>>, vector<1x16xf32>,
        %parallel_loop3A_228 = vector.shape_cast %parallel_loop3A_227 : vector<1x16xf32> to vector<16xf32>
        %parallel_loop3A_229 = arith.addf %parallel_loop3A_189, %parallel_loop3A_228 : vector<16xf32>
        scf.yield %parallel_loop3A_194, %parallel_loop3A_199, %parallel_loop3A_204, %parallel_loop3A_209, %parallel_loop3A_214, %parallel_loop3A_219, %parallel_loop3A_224, %parallel_loop3A_229 : vector<16xf32>, vector<16xf32>, vector<16xf32>, vector<16xf32>, vector<16xf32>, vector<16xf32>, vector<16xf32>, vector<16xf32>
      } {sc.loop_unroll_factor = 2 : i64, sc.parallel_access}
      %dma_wait3A_138 = arith.constant 0 : i32
      %dma_wait3A_139 = arith.constant 0 : i32
      %dma_wait3A_140 = tpu.memref_slice %arg8[%dma_wait3A_138, %dma_wait3A_139] : memref<48x128xf32, #tpu.memory_space<vmem>> -> memref<48x128xf32, #tpu.memory_space<vmem>>
      %dma_wait3A_141 = arith.constant 512 : i32
      %dma_wait3A_142 = tpu.memref_slice %arg5[%dma_wait3A_141] : memref<560xi32, #tpu.memory_space<vmem>> -> memref<48xi32, #tpu.memory_space<vmem>>
      %dma_wait3A_143 = arith.constant 0 : i32
      %dma_wait3A_144 = arith.constant 0 : i32
      %dma_wait3A_145 = tpu.memref_slice %arg3[%dma_wait3A_143, %dma_wait3A_144] : memref<1000000x128xf32, #tpu.memory_space<hbm>> -> memref<1000000x128xf32, #tpu.memory_space<hbm>>
      tpu.wait_indirect_dma semaphore(%arg13 : memref<!tpu.dma_semaphore, #tpu.memory_space<semaphore_mem>>) src(%dma_wait3A_145 : memref<1000000x128xf32, #tpu.memory_space<hbm>>) dst(%dma_wait3A_140 : memref<48x128xf32, #tpu.memory_space<vmem>>)
      %parallel_loop3A_146 = arith.constant 0 : i32
      %parallel_loop3A_147 = arith.constant 48 : i32
      %parallel_loop3A_148 = arith.constant 1 : i32
      %parallel_loop3A_149:8 = scf.for %parallel_loop3A_181 = %parallel_loop3A_146 to %parallel_loop3A_147 step %parallel_loop3A_148 iter_args(%parallel_loop3A_182 = %parallel_loop3A_137#0, %parallel_loop3A_183 = %parallel_loop3A_137#1, %parallel_loop3A_184 = %parallel_loop3A_137#2, %parallel_loop3A_185 = %parallel_loop3A_137#3, %parallel_loop3A_186 = %parallel_loop3A_137#4, %parallel_loop3A_187 = %parallel_loop3A_137#5, %parallel_loop3A_188 = %parallel_loop3A_137#6, %parallel_loop3A_189 = %parallel_loop3A_137#7) -> (vector<16xf32>, vector<16xf32>, vector<16xf32>, vector<16xf32>, vector<16xf32>, vector<16xf32>, vector<16xf32>, vector<16xf32>)  : i32 {
        %parallel_loop3A_190 = arith.index_cast %parallel_loop3A_181 : i32 to index
        %parallel_loop3A_191 = arith.constant 0 : index
        %parallel_loop3A_192 = tpu.vector_load %arg8[%parallel_loop3A_190, %parallel_loop3A_191] {strides = array<i32>} : memref<48x128xf32, #tpu.memory_space<vmem>>, vector<1x16xf32>,
        %parallel_loop3A_193 = vector.shape_cast %parallel_loop3A_192 : vector<1x16xf32> to vector<16xf32>
        %parallel_loop3A_194 = arith.addf %parallel_loop3A_182, %parallel_loop3A_193 : vector<16xf32>
        %parallel_loop3A_195 = arith.index_cast %parallel_loop3A_181 : i32 to index
        %parallel_loop3A_196 = arith.constant 16 : index
        %parallel_loop3A_197 = tpu.vector_load %arg8[%parallel_loop3A_195, %parallel_loop3A_196] {strides = array<i32>} : memref<48x128xf32, #tpu.memory_space<vmem>>, vector<1x16xf32>,
        %parallel_loop3A_198 = vector.shape_cast %parallel_loop3A_197 : vector<1x16xf32> to vector<16xf32>
        %parallel_loop3A_199 = arith.addf %parallel_loop3A_183, %parallel_loop3A_198 : vector<16xf32>
        %parallel_loop3A_200 = arith.index_cast %parallel_loop3A_181 : i32 to index
        %parallel_loop3A_201 = arith.constant 32 : index
        %parallel_loop3A_202 = tpu.vector_load %arg8[%parallel_loop3A_200, %parallel_loop3A_201] {strides = array<i32>} : memref<48x128xf32, #tpu.memory_space<vmem>>, vector<1x16xf32>,
        %parallel_loop3A_203 = vector.shape_cast %parallel_loop3A_202 : vector<1x16xf32> to vector<16xf32>
        %parallel_loop3A_204 = arith.addf %parallel_loop3A_184, %parallel_loop3A_203 : vector<16xf32>
        %parallel_loop3A_205 = arith.index_cast %parallel_loop3A_181 : i32 to index
        %parallel_loop3A_206 = arith.constant 48 : index
        %parallel_loop3A_207 = tpu.vector_load %arg8[%parallel_loop3A_205, %parallel_loop3A_206] {strides = array<i32>} : memref<48x128xf32, #tpu.memory_space<vmem>>, vector<1x16xf32>,
        %parallel_loop3A_208 = vector.shape_cast %parallel_loop3A_207 : vector<1x16xf32> to vector<16xf32>
        %parallel_loop3A_209 = arith.addf %parallel_loop3A_185, %parallel_loop3A_208 : vector<16xf32>
        %parallel_loop3A_210 = arith.index_cast %parallel_loop3A_181 : i32 to index
        %parallel_loop3A_211 = arith.constant 64 : index
        %parallel_loop3A_212 = tpu.vector_load %arg8[%parallel_loop3A_210, %parallel_loop3A_211] {strides = array<i32>} : memref<48x128xf32, #tpu.memory_space<vmem>>, vector<1x16xf32>,
        %parallel_loop3A_213 = vector.shape_cast %parallel_loop3A_212 : vector<1x16xf32> to vector<16xf32>
        %parallel_loop3A_214 = arith.addf %parallel_loop3A_186, %parallel_loop3A_213 : vector<16xf32>
        %parallel_loop3A_215 = arith.index_cast %parallel_loop3A_181 : i32 to index
        %parallel_loop3A_216 = arith.constant 80 : index
        %parallel_loop3A_217 = tpu.vector_load %arg8[%parallel_loop3A_215, %parallel_loop3A_216] {strides = array<i32>} : memref<48x128xf32, #tpu.memory_space<vmem>>, vector<1x16xf32>,
        %parallel_loop3A_218 = vector.shape_cast %parallel_loop3A_217 : vector<1x16xf32> to vector<16xf32>
        %parallel_loop3A_219 = arith.addf %parallel_loop3A_187, %parallel_loop3A_218 : vector<16xf32>
        %parallel_loop3A_220 = arith.index_cast %parallel_loop3A_181 : i32 to index
        %parallel_loop3A_221 = arith.constant 96 : index
        %parallel_loop3A_222 = tpu.vector_load %arg8[%parallel_loop3A_220, %parallel_loop3A_221] {strides = array<i32>} : memref<48x128xf32, #tpu.memory_space<vmem>>, vector<1x16xf32>,
        %parallel_loop3A_223 = vector.shape_cast %parallel_loop3A_222 : vector<1x16xf32> to vector<16xf32>
        %parallel_loop3A_224 = arith.addf %parallel_loop3A_188, %parallel_loop3A_223 : vector<16xf32>
        %parallel_loop3A_225 = arith.index_cast %parallel_loop3A_181 : i32 to index
        %parallel_loop3A_226 = arith.constant 112 : index
        %parallel_loop3A_227 = tpu.vector_load %arg8[%parallel_loop3A_225, %parallel_loop3A_226] {strides = array<i32>} : memref<48x128xf32, #tpu.memory_space<vmem>>, vector<1x16xf32>,
        %parallel_loop3A_228 = vector.shape_cast %parallel_loop3A_227 : vector<1x16xf32> to vector<16xf32>
        %parallel_loop3A_229 = arith.addf %parallel_loop3A_189, %parallel_loop3A_228 : vector<16xf32>
        scf.yield %parallel_loop3A_194, %parallel_loop3A_199, %parallel_loop3A_204, %parallel_loop3A_209, %parallel_loop3A_214, %parallel_loop3A_219, %parallel_loop3A_224, %parallel_loop3A_229 : vector<16xf32>, vector<16xf32>, vector<16xf32>, vector<16xf32>, vector<16xf32>, vector<16xf32>, vector<16xf32>, vector<16xf32>
      } {sc.loop_unroll_factor = 2 : i64, sc.parallel_access}
      %swap3A = arith.constant 0 : index
      %swap3A_150 = tpu.vector_load %arg9[%swap3A] {strides = array<i32>} : memref<128xf32, #tpu.memory_space<vmem>>, vector<16xf32>,
      %swap3A_151 = vector.shape_cast %swap3A_150 : vector<16xf32> to vector<16xf32>
      %swap3A_152 = vector.shape_cast %parallel_loop3A_149#0 : vector<16xf32> to vector<16xf32>
      tpu.vector_store %arg9[%swap3A], %swap3A_152 {strides = array<i32>} : memref<128xf32, #tpu.memory_space<vmem>>, vector<16xf32>,
      %swap3A_153 = arith.constant 16 : index
      %swap3A_154 = tpu.vector_load %arg9[%swap3A_153] {strides = array<i32>} : memref<128xf32, #tpu.memory_space<vmem>>, vector<16xf32>,
      %swap3A_155 = vector.shape_cast %swap3A_154 : vector<16xf32> to vector<16xf32>
      %swap3A_156 = vector.shape_cast %parallel_loop3A_149#1 : vector<16xf32> to vector<16xf32>
      tpu.vector_store %arg9[%swap3A_153], %swap3A_156 {strides = array<i32>} : memref<128xf32, #tpu.memory_space<vmem>>, vector<16xf32>,
      %swap3A_157 = arith.constant 32 : index
      %swap3A_158 = tpu.vector_load %arg9[%swap3A_157] {strides = array<i32>} : memref<128xf32, #tpu.memory_space<vmem>>, vector<16xf32>,
      %swap3A_159 = vector.shape_cast %swap3A_158 : vector<16xf32> to vector<16xf32>
      %swap3A_160 = vector.shape_cast %parallel_loop3A_149#2 : vector<16xf32> to vector<16xf32>
      tpu.vector_store %arg9[%swap3A_157], %swap3A_160 {strides = array<i32>} : memref<128xf32, #tpu.memory_space<vmem>>, vector<16xf32>,
      %swap3A_161 = arith.constant 48 : index
      %swap3A_162 = tpu.vector_load %arg9[%swap3A_161] {strides = array<i32>} : memref<128xf32, #tpu.memory_space<vmem>>, vector<16xf32>,
      %swap3A_163 = vector.shape_cast %swap3A_162 : vector<16xf32> to vector<16xf32>
      %swap3A_164 = vector.shape_cast %parallel_loop3A_149#3 : vector<16xf32> to vector<16xf32>
      tpu.vector_store %arg9[%swap3A_161], %swap3A_164 {strides = array<i32>} : memref<128xf32, #tpu.memory_space<vmem>>, vector<16xf32>,
      %swap3A_165 = arith.constant 64 : index
      %swap3A_166 = tpu.vector_load %arg9[%swap3A_165] {strides = array<i32>} : memref<128xf32, #tpu.memory_space<vmem>>, vector<16xf32>,
      %swap3A_167 = vector.shape_cast %swap3A_166 : vector<16xf32> to vector<16xf32>
      %swap3A_168 = vector.shape_cast %parallel_loop3A_149#4 : vector<16xf32> to vector<16xf32>
      tpu.vector_store %arg9[%swap3A_165], %swap3A_168 {strides = array<i32>} : memref<128xf32, #tpu.memory_space<vmem>>, vector<16xf32>,
      %swap3A_169 = arith.constant 80 : index
      %swap3A_170 = tpu.vector_load %arg9[%swap3A_169] {strides = array<i32>} : memref<128xf32, #tpu.memory_space<vmem>>, vector<16xf32>,
      %swap3A_171 = vector.shape_cast %swap3A_170 : vector<16xf32> to vector<16xf32>
      %swap3A_172 = vector.shape_cast %parallel_loop3A_149#5 : vector<16xf32> to vector<16xf32>
      tpu.vector_store %arg9[%swap3A_169], %swap3A_172 {strides = array<i32>} : memref<128xf32, #tpu.memory_space<vmem>>, vector<16xf32>,
      %swap3A_173 = arith.constant 96 : index
      %swap3A_174 = tpu.vector_load %arg9[%swap3A_173] {strides = array<i32>} : memref<128xf32, #tpu.memory_space<vmem>>, vector<16xf32>,
      %swap3A_175 = vector.shape_cast %swap3A_174 : vector<16xf32> to vector<16xf32>
      %swap3A_176 = vector.shape_cast %parallel_loop3A_149#6 : vector<16xf32> to vector<16xf32>
      tpu.vector_store %arg9[%swap3A_173], %swap3A_176 {strides = array<i32>} : memref<128xf32, #tpu.memory_space<vmem>>, vector<16xf32>,
      %swap3A_177 = arith.constant 112 : index
      %swap3A_178 = tpu.vector_load %arg9[%swap3A_177] {strides = array<i32>} : memref<128xf32, #tpu.memory_space<vmem>>, vector<16xf32>,
      %swap3A_179 = vector.shape_cast %swap3A_178 : vector<16xf32> to vector<16xf32>
      %swap3A_180 = vector.shape_cast %parallel_loop3A_149#7 : vector<16xf32> to vector<16xf32>
      tpu.vector_store %arg9[%swap3A_177], %swap3A_180 {strides = array<i32>} : memref<128xf32, #tpu.memory_space<vmem>>, vector<16xf32>,
      "tpu.region"() ({
        %run_scoped3A = tpu.sem_alloc : memref<!tpu.dma_semaphore, #tpu.memory_space<semaphore_mem>>
        %dma_start3A_181 = arith.constant 0 : i32
        %dma_start3A_182 = tpu.memref_slice %arg4[%add3A, %dma_start3A_181] : memref<32x128xf32, #tpu.memory_space<hbm>> -> memref<1x128xf32, #tpu.memory_space<hbm>>
        %dma_start3A_183 = tpu.memref_squeeze %dma_start3A_182 : memref<1x128xf32, #tpu.memory_space<hbm>> -> memref<128xf32, #tpu.memory_space<hbm>>
        %dma_start3A_184 = arith.constant 0 : i32
        %dma_start3A_185 = tpu.memref_slice %arg4[%add3A, %dma_start3A_184] : memref<32x128xf32, #tpu.memory_space<hbm>> -> memref<1x128xf32, #tpu.memory_space<hbm>>
        %dma_start3A_186 = tpu.memref_squeeze %dma_start3A_185 : memref<1x128xf32, #tpu.memory_space<hbm>> -> memref<128xf32, #tpu.memory_space<hbm>>
        tpu.enqueue_dma source(%arg9 : memref<128xf32, #tpu.memory_space<vmem>>) target(%dma_start3A_186 : memref<128xf32, #tpu.memory_space<hbm>>) target_semaphore(%run_scoped3A : memref<!tpu.dma_semaphore, #tpu.memory_space<semaphore_mem>>)
        %dma_wait3A_187 = arith.constant 0 : i32
        %dma_wait3A_188 = tpu.memref_slice %arg4[%add3A, %dma_wait3A_187] : memref<32x128xf32, #tpu.memory_space<hbm>> -> memref<1x128xf32, #tpu.memory_space<hbm>>
        %dma_wait3A_189 = tpu.memref_squeeze %dma_wait3A_188 : memref<1x128xf32, #tpu.memory_space<hbm>> -> memref<128xf32, #tpu.memory_space<hbm>>
        %dma_wait3A_190 = arith.constant 0 : i32
        %dma_wait3A_191 = tpu.memref_slice %arg4[%add3A, %dma_wait3A_190] : memref<32x128xf32, #tpu.memory_space<hbm>> -> memref<1x128xf32, #tpu.memory_space<hbm>>
        %dma_wait3A_192 = tpu.memref_squeeze %dma_wait3A_191 : memref<1x128xf32, #tpu.memory_space<hbm>> -> memref<128xf32, #tpu.memory_space<hbm>>
        tpu.wait_dma2 semaphore(%run_scoped3A : memref<!tpu.dma_semaphore, #tpu.memory_space<semaphore_mem>>) src(%arg9 : memref<128xf32, #tpu.memory_space<vmem>>) dst(%dma_wait3A_192 : memref<128xf32, #tpu.memory_space<hbm>>)
        tpu.yield
      }) : () -> ()
    } else {
    }
    return
  }
}

module attributes {stable_mosaic.version = 14 : i64} {
  func.func @body(%arg0: memref<32x128xf32, #tpu.memory_space<vmem>>, %arg1: memref<32x128xf32, #tpu.memory_space<vmem>>, %arg2: memref<1x32xf32, #tpu.memory_space<vmem>>, %arg3: memref<20x32xf32, #tpu.memory_space<vmem>>, %arg4: memref<1x20xf32, #tpu.memory_space<vmem>>, %arg5: memref<1x20xf32, #tpu.memory_space<vmem>>) attributes {dimension_semantics = [], scalar_prefetch = 0 : i64, scratch_operands = 0 : i64, tpu.core_type = #tpu.core_type<tc>} {
    %get3A = arith.constant 0 : index
    %get3A_0 = arith.constant 0 : index
    %get3A_1 = vector.load %arg0[%get3A, %get3A_0] : memref<32x128xf32, #tpu.memory_space<vmem>>, vector<32x128xf32>
    %reduce_sum3A = arith.constant dense<0.000000e+00> : vector<128xf32>
    %reduce_sum3A_2 = vector.multi_reduction <add>, %get3A_1, %reduce_sum3A [0] : vector<32x128xf32> to vector<128xf32>
    %broadcast_in_dim3A = vector.shape_cast %reduce_sum3A_2 : vector<128xf32> to vector<1x128xf32>
    %mul3A = arith.constant 6.10351563E-5 : f32
    %mul3A_3 = vector.broadcast %mul3A : f32 to vector<1x128xf32>
    %mul3A_4 = arith.mulf %broadcast_in_dim3A, %mul3A_3 : vector<1x128xf32>
    %get3A_5 = arith.constant 0 : index
    %get3A_6 = arith.constant 0 : index
    %get3A_7 = vector.load %arg1[%get3A_5, %get3A_6] : memref<32x128xf32, #tpu.memory_space<vmem>>, vector<32x128xf32>
    %dot_general3A = arith.constant dense<0.000000e+00> : vector<1x32xf32>
    %dot_general3A_8 = tpu.matmul %mul3A_4, %get3A_7, %dot_general3A {dimension_numbers = #tpu.dot_dimension_numbers<[1], [1], [0], [0], [0, 0, 1, 0], [], []>, transpose_lhs_hint = false} : vector<1x128xf32>, vector<32x128xf32>, vector<1x32xf32> -> vector<1x32xf32>
    %get3A_9 = arith.constant 0 : index
    %get3A_10 = arith.constant 0 : index
    %get3A_11 = vector.load %arg2[%get3A_9, %get3A_10] : memref<1x32xf32, #tpu.memory_space<vmem>>, vector<1x32xf32>
    %add3A = arith.addf %dot_general3A_8, %get3A_11 : vector<1x32xf32>
    %tanh3A = math.tanh %add3A : vector<1x32xf32>
    %get3A_12 = arith.constant 0 : index
    %get3A_13 = arith.constant 0 : index
    %get3A_14 = vector.load %arg3[%get3A_12, %get3A_13] : memref<20x32xf32, #tpu.memory_space<vmem>>, vector<20x32xf32>
    %dot_general3A_15 = arith.constant dense<0.000000e+00> : vector<1x20xf32>
    %dot_general3A_16 = tpu.matmul %tanh3A, %get3A_14, %dot_general3A_15 {dimension_numbers = #tpu.dot_dimension_numbers<[1], [1], [0], [0], [0, 0, 1, 0], [], []>, transpose_lhs_hint = false} : vector<1x32xf32>, vector<20x32xf32>, vector<1x20xf32> -> vector<1x20xf32>
    %get3A_17 = arith.constant 0 : index
    %get3A_18 = arith.constant 0 : index
    %get3A_19 = vector.load %arg4[%get3A_17, %get3A_18] : memref<1x20xf32, #tpu.memory_space<vmem>>, vector<1x20xf32>
    %add3A_20 = arith.addf %dot_general3A_16, %get3A_19 : vector<1x20xf32>
    %reduce_max3A = arith.constant dense<0xFF800000> : vector<1xf32>
    %reduce_max3A_21 = vector.multi_reduction <maximumf>, %add3A_20, %reduce_max3A [1] : vector<1x20xf32> to vector<1xf32>
    %broadcast_in_dim3A_22 = vector.shape_cast %reduce_max3A_21 : vector<1xf32> to vector<1x1xf32>
    %sub3A = vector.broadcast %broadcast_in_dim3A_22 : vector<1x1xf32> to vector<1x20xf32>
    %sub3A_23 = arith.subf %add3A_20, %sub3A : vector<1x20xf32>
    %exp3A = math.exp %sub3A_23 : vector<1x20xf32>
    %reduce_sum3A_24 = arith.constant dense<0.000000e+00> : vector<1xf32>
    %reduce_sum3A_25 = vector.multi_reduction <add>, %exp3A, %reduce_sum3A_24 [1] : vector<1x20xf32> to vector<1xf32>
    %broadcast_in_dim3A_26 = vector.shape_cast %reduce_sum3A_25 : vector<1xf32> to vector<1x1xf32>
    %div3A = vector.broadcast %broadcast_in_dim3A_26 : vector<1x1xf32> to vector<1x20xf32>
    %div3A_27 = arith.divf %exp3A, %div3A : vector<1x20xf32>
    %swap3A = arith.constant 0 : index
    %swap3A_28 = arith.constant 0 : index
    %swap3A_29 = vector.load %arg5[%swap3A, %swap3A_28] : memref<1x20xf32, #tpu.memory_space<vmem>>, vector<1x20xf32>
    tpu.vector_store %arg5[%swap3A, %swap3A_28], %div3A_27 {strides = array<i32>} : memref<1x20xf32, #tpu.memory_space<vmem>>, vector<1x20xf32>,
    return
  }
}

</mosaic_0001>

<sc_bundles>
// kernel: kernel.4.cloned.1.call-start
scs
__scs_entry_jumppad:
0x0: {  	(pc) =	sbr.rel $0x88, $3  }
0x1: {  	(tag) =	ssettag $0x0;
	lr =	simm.s32 $0x1  }
0x2: {  	[smem:$0x3F9B] =	sst lr;
	_ =	strace $0xD0000000  }
0x3: {  	_ = 	snop  }
0x4: {  	_ = 	snop  }
0x5: {  	_ = 	snop  }
0x6: {  	_ = 	snop  }
0x7: {  	_ = 	snop  }
__scs_overlays_trampoline_lowered:
0x8: {  	[smem:$0x3FAA] =	sst s0  }
0x9: {  	[smem:$0x3FAB] =	sst s1  }
0xa: {  	[smem:$0x3FAC] =	sst s2  }
0xb: {  	[smem:$0x3FAD] =	sst s3  }
0xc: {  	[smem:$0x3FAE] =	sst s4  }
0xd: {  	[smem:$0x3FAF] =	sst s5  }
0xe: {  	[smem:$0x3FB0] =	sst s6  }
0xf: {  	[smem:$0x3FB1] =	sst s7  }
0x10: {  	[smem:$0x3FB2] =	sst s8  }
0x11: {  	[smem:$0x3FB3] =	sst s9;
	s0 =	simm.s32 @!p0 $0x0  }
0x12: {  	s1 =	sld [smem:$0x3F99];
	s0 =	simm.s32 @p0 $0x1  }
0x13: {  	[smem:$0x3FB4] =	sst s0;
	s0 =	simm.s32 @!p1 $0x0  }
0x14: {  	s2 =	sld [smem:$0x3F98];
	s0 =	simm.s32 @p1 $0x1  }
0x15: {  	[smem:$0x3FB5] =	sst s0;
	s0 =	simm.s32 @!p2 $0x0  }
0x16: {  	s3 =	sld [smem:$0x3FDB];
	s0 =	simm.s32 @p2 $0x1  }
0x17: {  	s4 =	simm.s32 $0x1BF5;
	[smem:$0x3FB7] =	sst s0  }
0x18: {  	s0 =	sld [smem:$0x3F9A];
	_ =	swait.ge [sflag:s4], $0x0  }
0x19: {  	s7 =	sld [smem:$0x3F9B]  }
0x1a: {  	s8 =	sadd.s32 $0xFFFFE003, lr  }
0x1b: {  	s9 =	sadd.s32 $0xFFFFFEF7, lr;
	s5 =	simm.s32 $0xFFFFFFFF;
	p2 =	slt.u32 s8, $0xFFFFF086  }
0x1c: {  	p1 =	slt.u32 s9, $0xF7A;
	s5 =	simm.s32 @!p2 $0x0  }
0x1d: {  	s5 =	simm.s32 @p1 $0x1;
	p0 =	seq.s32 s7, s2  }
0x1e: {  	s7 =	smul.u32 @!p0 $0xF7A, s2;
	p2 =	seq.s32 @!p0 s5, $0x0  }
0x1f: {  	s9 =	smul.u32 $0xF7A, s1;
	s8 =	simm.s32 @!p0 $0x1BF5;
	p2 =	por !p2, p0  }
0x20: {  	[sflag:s8] =	ssyncset.s32 @!p0 $0xFFFFF086;
	s6 =	sadd.s32 @!p0 s3, s7;
	s7 =	simm.s32 @!p0 $0x108  }
0x21: {  	s3 =	sadd.s32 s3, s9;
	s6 =	sadd.s32 @!p0 $0x88, s6;
	s7 =	simm.s32 @p2 $0x1082  }
0x22: {  	[simem:s7], [sflag:s8] =	dma.local @!p0 [hbm:s6], $0xF7A  }
0x23: {  	s9 =	sor.u32 $0xD0000000, s2;
	s6 =	simm.s32 $0x108;
	_ =	swait.ge @!p0 [sflag:s8], $0x0  }
0x24: {  	s3 =	sadd.s32 $0x88, s3;
	s6 =	simm.s32 @!p1 $0x1082;
	[sflag:s4] =	ssyncset.s32 $0xFFFFF086  }
0x25: {  	[simem:s6], [sflag:s4] =	dma.local [hbm:s3], $0xF7A  }
0x26: {  	[smem:$0x3F9B] =	sst s1;
	(tag) =	ssettag s2;
	_ =	strace s9  }
0x27: {  	s1 =	sld [smem:$0x3FAB]  }
0x28: {  	s2 =	sld [smem:$0x3FAC]  }
0x29: {  	s4 =	sld [smem:$0x3FAE]  }
0x2a: {  	p0 =	seq.s32 s5, $0x0;
	s5 =	sld [smem:$0x3FAF]  }
0x2b: {  	s6 =	sld [smem:$0x3FB0]  }
0x2c: {  	s7 =	sld [smem:$0x3FB1]  }
0x2d: {  	s3 =	simm.s32 $0x108;
	s8 =	sld [smem:$0x3FB2]  }
0x2e: {  	s3 =	simm.s32 @!p0 $0x1082;
	s9 =	sld [smem:$0x3FB3]  }
0x2f: {  	lr =	sadd.s32 s0, s3;
	s0 =	sld [smem:$0x3FAA]  }
0x30: {  	s3 =	sld [smem:$0x3FAD]  }
0x31: {  	[smem:$0x3FB6] =	sst s10  }
0x32: {  	s10 =	sld [smem:$0x3FB4];
	_ =	sdelay $0x3  }
0x33: {  	p0 =	seq.s32 s10, $0x1;
	s10 =	sld [smem:$0x3FB6];
	_ =	sdelay $0x3  }
0x34: {  	[smem:$0x3FB6] =	sst s10  }
0x35: {  	s10 =	sld [smem:$0x3FB5];
	_ =	sdelay $0x3  }
0x36: {  	p1 =	seq.s32 s10, $0x1;
	s10 =	sld [smem:$0x3FB6];
	_ =	sdelay $0x3  }
0x37: {  	[smem:$0x3FB6] =	sst s10  }
0x38: {  	s10 =	sld [smem:$0x3FB7]  }
0x39: {  	_ = 	snop;
	(pc) =	sbr.ind lr, $3  }
0x3a: {  	_ = 	snop  }
0x3b: {  	_ = 	snop  }
0x3c: {  	p2 =	seq.s32 s10, $0x1;
	s10 =	sld [smem:$0x3FB6]  }
0x3d: {  	_ =	shalt  }
0x3e: {  	_ =	shalt  }
0x3f: {  	_ =	shalt  }
0x40: {  	_ =	shalt  }
0x41: {  	_ =	shalt  }
0x42: {  	_ =	shalt  }
0x43: {  	_ =	shalt  }
0x44: {  	_ =	shalt  }
0x45: {  	_ =	shalt  }
0x46: {  	_ =	shalt  }
0x47: {  	_ =	shalt  }
0x48: {  	_ =	shalt  }
0x49: {  	_ =	shalt  }
0x4a: {  	_ =	shalt  }
0x4b: {  	_ =	shalt  }
0x4c: {  	_ =	shalt  }
0x4d: {  	_ =	shalt  }
0x4e: {  	_ =	shalt  }
0x4f: {  	_ =	shalt  }
0x50: {  	_ =	shalt  }
0x51: {  	_ =	shalt  }
0x52: {  	_ =	shalt  }
0x53: {  	_ =	shalt  }
0x54: {  	_ =	shalt  }
0x55: {  	_ =	shalt  }
0x56: {  	_ =	shalt  }
0x57: {  	_ =	shalt  }
0x58: {  	_ =	shalt  }
0x59: {  	_ =	shalt  }
0x5a: {  	_ =	shalt  }
0x5b: {  	_ =	shalt  }
0x5c: {  	_ =	shalt  }
0x5d: {  	_ =	shalt  }
0x5e: {  	_ =	shalt  }
0x5f: {  	_ =	shalt  }
0x60: {  	_ =	shalt  }
0x61: {  	_ =	shalt  }
0x62: {  	_ =	shalt  }
0x63: {  	_ =	shalt  }
0x64: {  	_ =	shalt  }
0x65: {  	_ =	shalt  }
0x66: {  	_ =	shalt  }
0x67: {  	_ =	shalt  }
0x68: {  	_ =	shalt  }
0x69: {  	_ =	shalt  }
0x6a: {  	_ =	shalt  }
0x6b: {  	_ =	shalt  }
0x6c: {  	_ =	shalt  }
0x6d: {  	_ =	shalt  }
0x6e: {  	_ =	shalt  }
0x6f: {  	_ =	shalt  }
0x70: {  	_ =	shalt  }
0x71: {  	_ =	shalt  }
0x72: {  	_ =	shalt  }
0x73: {  	_ =	shalt  }
0x74: {  	_ =	shalt  }
0x75: {  	_ =	shalt  }
0x76: {  	_ =	shalt  }
0x77: {  	_ =	shalt  }
0x78: {  	_ =	shalt  }
0x79: {  	_ =	shalt  }
0x7a: {  	_ =	shalt  }
0x7b: {  	_ =	shalt  }
0x7c: {  	_ =	shalt  }
0x7d: {  	_ =	shalt  }
0x7e: {  	_ =	shalt  }
0x7f: {  	_ =	shalt  }
0x80: {  	_ =	shalt  }
0x81: {  	_ =	shalt  }
0x82: {  	_ =	shalt  }
0x83: {  	_ =	shalt  }
0x84: {  	_ =	shalt  }
0x85: {  	_ =	shalt  }
0x86: {  	_ =	shalt  }
0x87: {  	_ =	shalt  }
.Lfunc_end0:
.L_simem_size_0:
called_computation_lowered:
.L_overlay_start_0:
0x88: {  	s2 =	sld [smem:$0x3FD9]  }
0x89: {  	s3 =	sld [smem:$0x3FFE];
	_ =	sdelay $0x1  }
0x8a: {  	s1 =	srdreg.scid  }
0x8b: {  	s0 =	sand.u32 $0x1, s1  }
0x8c: {  	s17 =	sshll.u32 s0, $0xA;
	s2 =	sadd.s32 s3, s2  }
0x8d: {  	s2 =	sadd.s32 s2, s17  }
0x8e: {  	[smem:$0x3FC2] =	sst s2  }
0x8f: {  	_ = 	snop  }
0x90: {  	s2 =	sld [smem:$0x3FC9]  }
0x91: {  	s18 =	sld [smem:$0x3FC8];
	(tm) =	ssettm $0x1  }
0x92: {  	s4 =	sld [smem:$0x3FFB];
	_ =	sdelay $0x3  }
0x93: {  	_ =	strace s4  }
0x94: {  	s4 =	sld [smem:$0x3FFC];
	_ =	sdelay $0x3  }
0x95: {  	_ =	strace s4  }
0x96: {  	s4 =	sld [smem:$0x3FFD];
	_ =	sdelay $0x3  }
0x97: {  	_ =	strace s4  }
0x98: {  	_ =	strace $0x8FFFFFFF  }
0x99: {  	s19 =	sld [smem:$0x3FDB];
	_ =	sdelay $0x1  }
0x9a: {  	s5 =	simm.s32 $_scs_section_size  }
0x9b: {  	s6 =	simm.s32 $_size__tile_overlayer_lowered;
	s7 =	simm.s32 $_tile_overlayer_lowered  }
0x9c: {  	s22 =	simm.s32 $0x1BFF;
	s21 =	sshll.u32 s7, $0x1;
	s4 =	sadd.s32 s5, s19  }
0x9d: {  	s8 =	simm.s32 $0x0;
	s20 =	sshll.u32 s6, $0x1;
	s6 =	sadd.s32 s21, s4  }
0x9e: {  	[timem:s8], [sflag:s22] =	dma.local [hbm:s6], s20  }
0x9f: {  	_ =	swait.ge [sflag:s22], s20  }
0xa0: {  	s5 =	ssub.s32 $0x0, s20;
	[sflag:s22] =	ssyncset.done $0x0  }
0xa1: {  	[sflag:s22] =	ssyncadd.s32 s5;
	_ =	sdelay $0x1  }
0xa2: {  	s23 =	simm.s32 $0x1B8B  }
0xa3: {  	_ =	swait.ge [sflag:s23], $0x1  }
0xa4: {  	[sflag:s23] =	ssyncset.done $0x0  }
0xa5: {  	s25 =	simm.s32 $0x1B8E;
	s24 =	sld [smem:$0x3FFE];
	[sflag:s23] =	ssyncadd.s32 $0xFFFFFFFF  }
0xa6: {  	s26 =	simm.s32 $execute0_lowered;
	[smem:$0x3FD2] =	sst s25  }
0xa7: {  	s6 =	sshll.u32 s26, $0x1;
	_ =	strace $0x80000046;
	[dreg:$0x1] =	wrdreg $0xFFFFFFFF  }
0xa8: {  	s28 =	simm.s32 $_size_execute0_lowered;
	s4 =	sadd.s32 s4, s6;
	[dreg:$0x0] =	wrdreg $0x0  }
0xa9: {  	s6 =	sshll.u32 s28, $0x1;
	[dreg:$0x2] =	wrdreg s4  }
0xaa: {  	[dreg:$0x3] =	wrdreg s6  }
0xab: {  	[dreg:$0x4] =	wrdreg $0xC0  }
0xac: {  	_ =	task [dreg:s8], $0x5FFFF  }
0xad: {  	[dreg:$0x1] =	wrdreg $0xFFFFFFFF  }
0xae: {  	[dreg:$0x0] =	wrdreg $0x60  }
0xaf: {  	[dreg:$0x2] =	wrdreg s2  }
0xb0: {  	[dreg:$0x3] =	wrdreg s18  }
0xb1: {  	[dreg:$0x4] =	wrdreg s24  }
0xb2: {  	[dreg:$0x5] =	wrdreg $0x9  }
0xb3: {  	_ =	task.clear_ibuf [dreg:s8], $0x6FFFF;
	_ =	strace $0x90000046  }
0xb4: {  	s29 =	simm.s32 $0x9;
	_ =	strace $0x80000048  }
0xb5: {  	_ =	swait.ge [sflag:s29], $0x1  }
0xb6: {  	[sflag:s29] =	ssyncadd.s32 $0xFFFFFFFF  }
0xb7: {  	_ =	strace $0x90000048  }
0xb8: {  	_ =	sfence  }
0xb9: {  	s30 =	sld [smem:$0x0];
	_ =	sdelay $0x2  }
0xba: {  	s31 =	sshll.u32 s1, $0xD;
	s1 =	sshrl.u32 s1, $0x2  }
0xbb: {  	s3 =	sand.u32 $0x4000, s31;
	s1 =	sadd.s32 s1, s30  }
0xbc: {  	s0 =	sor.u32 s3, s0;
	s1 =	sshll.u32 s1, $0x11  }
0xbd: {  	s0 =	sor.u32 s1, s0  }
0xbe: {  	s0 =	sadd.s32 $0x8F2B, s0  }
0xbf: {  	[sflag:s0] =	ssyncadd.remote.s32 $0x1  }
0xc0: {  	_ =	sfence.sel $0xFFFF  }
0xc1: {  	[dreg:$0x0] =	wrdreg $0xFFFFFFFF;
	(pc) =	sbr.abs _section_cstart, $3  }
0xc2: {  	[dreg:$0x1] =	wrdreg $0xFFFFFFFF  }
0xc3: {  	_ =	task.clear_ibuf [dreg:s8], $0x2FFFF;
	_ =	strace $0x9FFFFFFF  }
0xc4: {  	(tm) =	ssettm $0x7FFFFFFF  }
0xc5: {  	_ =	shalt  }
tec
execute0_lowered:
.L_overlay_start_1:
0x0: {  	(tag) =	ssettag $0x1  }
0x1: {  	s0 =	rddreg [dreg:$0x0]  }
0x2: {  	s2 =	rddreg [dreg:$0x1]  }
0x3: {  	s1 =	rddreg [dreg:$0x2];
	s3 =	simm.s32 $0x0;
	s8 =	stileid.u32  }
0x4: {  	s4 =	srdreg.scid;
	s11 =	simm.s32 $0x80;
	s12 =	simm.s32 $0x3  }
0x5: {  	s13 =	simm.s32 $0x280;
	s14 =	simm.s32 $0x4;
	s15 =	simm.s32 $0x4280  }
0x6: {  	s16 =	simm.s32 $0x1;
	s18 =	simm.s32 $0x2;
	s20 =	simm.s32 $0x30  }
0x7: {  	s21 =	simm.s32 $0x200;
	s22 =	simm.s32 $0x8280;
	s23 =	simm.s32 $0x9A80  }
0x8: {  	s24 =	simm.s32 $0x5;
	s28 =	simm.s32 $0x60;
	s29 =	simm.s32 $0x150  }
0x9: {  	s30 =	simm.s32 $0x20;
	s31 =	simm.s32 $0x1B0;
	[smem:$0x7FF] =	sst s3  }
0xa: {  	s4 =	sand.u32 $0x1, s4;
	s5 =	smul.u32 $0x1D0, s8;
	s6 =	sshll.u32 s8, $0x5  }
0xb: {  	s8 =	smul.u32 $0x230, s8;
	s7 =	ssub.s32 $0x2, s4;
	_ =	strace $0x80000047  }
0xc: {  	s1 =	sadd.s32 s6, s1;
	p0 =	seq.s32 s4, $0x1;
	s25 =	sshrl.u32 s7, $0x1  }
.Ltmp0:
0xd: {  	s5 =	sshrl.u32 s5, $0x3;
	s26 =	sshrl.u32 s8, $0x3;
	(pc) =	sbr.rel .LBB2_1-.Ltmp0, $4  }
0xe: {  	s6 =	sadd.s32 $0xE00, s1;
	s9 =	sadd.s32 $0xE10, s1;
	s10 =	ssub.s32 s7, s25  }
0xf: {  	s4 =	sadd.s32 s0, s5;
	s0 =	sadd.s32 s0, s26;
	s25 =	simm.s32 $0x70  }
0x10: {  	s26 =	simm.s32 $0xE0;
	s5 =	sadd.s32 $0xE, s4;
	s7 =	sadd.s32 $0x3A0, s0  }
0x11: {  	s8 =	sadd.s32 $0x3B0, s0;
	s10 =	smax.u32 s10, $0x1;
	s0 =	simm.s32 $0x0  }
.LBB2_23:
0x12: {  	v13 =	vld [tilespmem:s1+$0x82F0]  }
0x13: {  	v14 =	vld [tilespmem:s1+$0x8280]  }
0x14: {  	v15 =	vld [tilespmem:s1+$0x8290]  }
0x15: {  	v16 =	vld [tilespmem:s1+$0x82A0]  }
0x16: {  	v17 =	vld [tilespmem:s1+$0x82B0]  }
0x17: {  	v18 =	vld [tilespmem:s1+$0x82C0]  }
0x18: {  	v8 =	vadd.f32 v8, v2;
	v19 =	vld [tilespmem:s1+$0x82D0]  }
0x19: {  	v9 =	vadd.f32 v9, v0;
	v10 =	vadd.f32 v10, v3;
	v20 =	vld [tilespmem:s1+$0x82E0]  }
0x1a: {  	v11 =	vadd.f32 v11, v1;
	v12 =	vadd.f32 v12, v4  }
0x1b: {  	v0 =	vadd.f32 v13, v5;
	v1 =	vadd.f32 v14, v6  }
0x1c: {  	v2 =	vadd.f32 v15, v7;
	v3 =	vadd.f32 v16, v8  }
0x1d: {  	v4 =	vadd.f32 v17, v9;
	v5 =	vadd.f32 v18, v10  }
0x1e: {  	s1 =	smov.u32 s9;
	v6 =	vadd.f32 v19, v11;
	v7 =	vadd.f32 v20, v12  }
.LBB2_24:
0x1f: {  	[tilespmem:$0x9A80] =	vst v1  }
0x20: {  	[tilespmem:$0x9A90] =	vst v2  }
0x21: {  	[tilespmem:$0x9AA0] =	vst v3  }
0x22: {  	[tilespmem:$0x9AB0] =	vst v4  }
0x23: {  	[tilespmem:$0x9AC0] =	vst v5  }
0x24: {  	[tilespmem:$0x9AF0] =	vst v0;
	s0 =	sadd.s32 $0x1, s0  }
0x25: {  	[tilespmem:$0x9AD0] =	vst v6;
	p1 =	sne.s32 s0, s10  }
.Ltmp1:
0x26: {  	[tilespmem:$0x9AE0] =	vst v7;
	(pc) =	sbr.rel @!p1 .LBB2_25-.Ltmp1, $4  }
0x27: {  	[hbm4b:s1+s3] =	stream.linear.scatter [tilespmem:s23], [sflag:$0x5], $0x80, $0x38;
	[tilespmem:$0x9B00] =	vst v63  }
0x28: {  	_ =	swait.ge [sflag:s24], $0x80  }
0x29: {  	[sflag:s24] =	ssyncset.done $0x0  }
0x2a: {  	[sflag:s24] =	ssyncadd.s32 $0xFFFFFF80  }
.LBB2_1:
.Ltmp2:
0x2b: {  	(pc) =	sbr.rel @!p0 .LBB2_2-.Ltmp2, $2  }
0x2c: {  	_ =	sdelay $0x2  }
0x2d: {  	s1 =	simm.s32 $0x0  }
0x2e: {  	[tilespmem:s1], [sflag:$0x3] =	stream.linear.gather [hbm4b:s7+s1], $0x80, $0x38;
	[tilespmem:$0x9B00] =	vst v63  }
0x2f: {  	_ = 	snop  }
0x30: {  	[tilespmem:s11], [sflag:$0x4] =	stream.linear.gather [hbm4b:s8+s1], $0x1B0, $0x38;
	[tilespmem:$0x9B00] =	vst v63  }
0x31: {  	_ =	swait.ge [sflag:s12], $0x80  }
0x32: {  	[sflag:s12] =	ssyncset.done $0x0  }
0x33: {  	[sflag:s12] =	ssyncadd.s32 $0xFFFFFF80  }
0x34: {  	[tilespmem:s13], [sflag:$0x1] =	stream.indirect.gather [hbm4b:s2+s11], $0x80, s1, s11, $0xb8;
	[tilespmem:$0x9B00] =	vst v63  }
0x35: {  	_ =	swait.ge [sflag:s14], $0x1B0  }
0x36: {  	[sflag:s14] =	ssyncset.done $0x0  }
0x37: {  	[sflag:s14] =	ssyncadd.s32 $0xFFFFFE50  }
0x38: {  	[tilespmem:s15], [sflag:$0x2] =	stream.indirect.gather [hbm4b:s2+s11], $0x80, s11, s11, $0xb8;
	[tilespmem:$0x9B00] =	vst v63  }
0x39: {  	_ =	swait.ge [sflag:s16], $0x4000  }
0x3a: {  	[sflag:s16] =	ssyncset.done $0x0  }
0x3b: {  	s19 =	simm.s32 $0x100;
	[sflag:s16] =	ssyncadd.s32 $0xFFFFC000  }
0x3c: {  	[tilespmem:s13], [sflag:$0x1] =	stream.indirect.gather [hbm4b:s2+s11], $0x80, s19, s11, $0xb8;
	[tilespmem:$0x9B00] =	vst v63  }
0x3d: {  	s19 =	simm.s32 $0x0  }
0x3e: {  	v0 =	vld [tilespmem:s19+$0x2F0]  }
0x3f: {  	v2 =	vld [tilespmem:s19+$0x280]  }
0x40: {  	v4 =	vld [tilespmem:s19+$0x290]  }
0x41: {  	v5 =	vld [tilespmem:s19+$0x2A0]  }
0x42: {  	v8 =	vld [tilespmem:s19+$0x2B0]  }
0x43: {  	v3 =	vimm.f32 $0.0e+00;
	v9 =	vimm.f32 $0.0e+00;
	v6 =	vld [tilespmem:s19+$0x2C0]  }
0x44: {  	v10 =	vimm.f32 $0.0e+00;
	v7 =	vimm.f32 $0.0e+00;
	v11 =	vld [tilespmem:s19+$0x2D0];
	v1 =	vadd.f32 v0, v3  }
0x45: {  	s17 =	simm.s32 $0x400;
	s1 =	simm.s32 $0x80;
	v12 =	vld [tilespmem:s19+$0x2E0];
	v0 =	vadd.f32 v2, v3;
	v2 =	vadd.f32 v4, v3;
	v4 =	vimm.f32 $0.0e+00  }
.LBB2_14:
0x46: {  	p1 =	sne.s32 s17, $0xFE00;
	v13 =	vld [tilespmem:s1+$0x2F0];
	v3 =	vadd.f32 v5, v3  }
0x47: {  	v14 =	vld [tilespmem:s1+$0x280];
	v4 =	vadd.f32 v8, v4  }
0x48: {  	v15 =	vld [tilespmem:s1+$0x290];
	v9 =	vadd.f32 v6, v9  }
.Ltmp3:
0x49: {  	v5 =	vld [tilespmem:s1+$0x2A0];
	v10 =	vadd.f32 v11, v10;
	(pc) =	sbr.rel @p1 .LBB2_14-.Ltmp3, $4  }
0x4a: {  	v8 =	vld [tilespmem:s1+$0x2B0];
	v7 =	vadd.f32 v12, v7  }
0x4b: {  	v6 =	vld [tilespmem:s1+$0x2C0];
	v1 =	vadd.f32 v13, v1  }
0x4c: {  	v0 =	vadd.f32 v14, v0;
	v11 =	vld [tilespmem:s1+$0x2D0]  }
0x4d: {  	v2 =	vadd.f32 v15, v2;
	v12 =	vld [tilespmem:s1+$0x2E0];
	s1 =	sshra.s32 s17, $0x2;
	s17 =	sadd.s32 $0x200, s17  }
0x4e: {  	v13 =	vld [tilespmem:s1+$0x2F0]  }
0x4f: {  	v14 =	vld [tilespmem:s1+$0x280]  }
0x50: {  	v15 =	vld [tilespmem:s1+$0x290]  }
0x51: {  	v16 =	vld [tilespmem:s1+$0x2A0]  }
0x52: {  	v17 =	vld [tilespmem:s1+$0x2B0]  }
0x53: {  	v18 =	vld [tilespmem:s1+$0x2C0]  }
0x54: {  	v19 =	vld [tilespmem:s1+$0x2D0]  }
0x55: {  	v20 =	vld [tilespmem:s1+$0x2E0];
	_ =	swait.ge [sflag:s18], $0x4000  }
0x56: {  	[sflag:s18] =	ssyncset.done $0x0  }
0x57: {  	s19 =	simm.s32 $0x180;
	[sflag:s18] =	ssyncadd.s32 $0xFFFFC000  }
0x58: {  	[tilespmem:s15], [sflag:$0x2] =	stream.indirect.gather [hbm4b:s2+s11], $0x80, s19, s11, $0xb8;
	[tilespmem:$0x9B00] =	vst v63  }
0x59: {  	s19 =	simm.s32 $0x0  }
0x5a: {  	v3 =	vadd.f32 v5, v3;
	v4 =	vadd.f32 v8, v4;
	v5 =	vld [tilespmem:s19+$0x42F0]  }
0x5b: {  	v6 =	vadd.f32 v6, v9;
	v10 =	vadd.f32 v11, v10;
	v21 =	vld [tilespmem:s19+$0x4280]  }
0x5c: {  	v7 =	vadd.f32 v12, v7;
	v12 =	vld [tilespmem:s19+$0x4290];
	v11 =	vadd.f32 v13, v1  }
0x5d: {  	v8 =	vld [tilespmem:s19+$0x42A0];
	v13 =	vadd.f32 v14, v0;
	v14 =	vadd.f32 v15, v2  }
0x5e: {  	v9 =	vld [tilespmem:s19+$0x42B0];
	v0 =	vadd.f32 v16, v3;
	v1 =	vadd.f32 v17, v4  }
0x5f: {  	v2 =	vadd.f32 v18, v6;
	v3 =	vadd.f32 v19, v10;
	v10 =	vld [tilespmem:s19+$0x42C0]  }
0x60: {  	v4 =	vadd.f32 v20, v7;
	v5 =	vadd.f32 v5, v11;
	v11 =	vld [tilespmem:s19+$0x42D0]  }
0x61: {  	s1 =	simm.s32 $0x80;
	s17 =	simm.s32 $0x400;
	v6 =	vadd.f32 v21, v13;
	v7 =	vadd.f32 v12, v14;
	v12 =	vld [tilespmem:s19+$0x42E0]  }
.LBB2_16:
0x62: {  	p1 =	sne.s32 s17, $0xFE00;
	v13 =	vld [tilespmem:s1+$0x42F0];
	v0 =	vadd.f32 v8, v0  }
0x63: {  	v14 =	vld [tilespmem:s1+$0x4280];
	v1 =	vadd.f32 v9, v1  }
0x64: {  	v15 =	vld [tilespmem:s1+$0x4290];
	v2 =	vadd.f32 v10, v2  }
.Ltmp4:
0x65: {  	v8 =	vld [tilespmem:s1+$0x42A0];
	v3 =	vadd.f32 v11, v3;
	(pc) =	sbr.rel @p1 .LBB2_16-.Ltmp4, $4  }
0x66: {  	v9 =	vld [tilespmem:s1+$0x42B0];
	v4 =	vadd.f32 v12, v4  }
0x67: {  	v10 =	vld [tilespmem:s1+$0x42C0];
	v5 =	vadd.f32 v13, v5  }
0x68: {  	v6 =	vadd.f32 v14, v6;
	v11 =	vld [tilespmem:s1+$0x42D0]  }
0x69: {  	v7 =	vadd.f32 v15, v7;
	v12 =	vld [tilespmem:s1+$0x42E0];
	s1 =	sshra.s32 s17, $0x2;
	s17 =	sadd.s32 $0x200, s17  }
0x6a: {  	v13 =	vld [tilespmem:s1+$0x42F0]  }
0x6b: {  	v14 =	vld [tilespmem:s1+$0x4280]  }
0x6c: {  	v15 =	vld [tilespmem:s1+$0x4290]  }
0x6d: {  	v16 =	vld [tilespmem:s1+$0x42A0]  }
0x6e: {  	v17 =	vld [tilespmem:s1+$0x42B0]  }
0x6f: {  	v18 =	vld [tilespmem:s1+$0x42C0]  }
0x70: {  	v19 =	vld [tilespmem:s1+$0x42D0]  }
0x71: {  	v20 =	vld [tilespmem:s1+$0x42E0];
	_ =	swait.ge [sflag:s16], $0x4000  }
0x72: {  	[sflag:s16] =	ssyncset.done $0x0  }
0x73: {  	s19 =	simm.s32 $0x0;
	[sflag:s16] =	ssyncadd.s32 $0xFFFFC000  }
0x74: {  	[tilespmem:s22], [sflag:$0x4] =	stream.indirect.gather [hbm4b:s2+s20], $0x80, s21, s20, $0xb8;
	[tilespmem:$0x9B00] =	vst v63  }
0x75: {  	v0 =	vadd.f32 v8, v0;
	v1 =	vadd.f32 v9, v1;
	v21 =	vld [tilespmem:s19+$0x2F0]  }
0x76: {  	v2 =	vadd.f32 v10, v2;
	v3 =	vadd.f32 v11, v3;
	v22 =	vld [tilespmem:s19+$0x280]  }
0x77: {  	v4 =	vadd.f32 v12, v4;
	v12 =	vld [tilespmem:s19+$0x290];
	v5 =	vadd.f32 v13, v5  }
0x78: {  	v8 =	vld [tilespmem:s19+$0x2A0];
	v6 =	vadd.f32 v14, v6;
	v7 =	vadd.f32 v15, v7  }
0x79: {  	v9 =	vld [tilespmem:s19+$0x2B0];
	v0 =	vadd.f32 v16, v0;
	v1 =	vadd.f32 v17, v1  }
0x7a: {  	v10 =	vld [tilespmem:s19+$0x2C0];
	v2 =	vadd.f32 v18, v2;
	v3 =	vadd.f32 v19, v3  }
0x7b: {  	v11 =	vld [tilespmem:s19+$0x2D0];
	v4 =	vadd.f32 v20, v4;
	v5 =	vadd.f32 v21, v5  }
0x7c: {  	s1 =	simm.s32 $0x80;
	s17 =	simm.s32 $0x400;
	v6 =	vadd.f32 v22, v6;
	v7 =	vadd.f32 v12, v7;
	v12 =	vld [tilespmem:s19+$0x2E0]  }
.LBB2_18:
0x7d: {  	p1 =	sne.s32 s17, $0xFE00;
	v13 =	vld [tilespmem:s1+$0x2F0];
	v0 =	vadd.f32 v8, v0  }
0x7e: {  	v14 =	vld [tilespmem:s1+$0x280];
	v1 =	vadd.f32 v9, v1  }
0x7f: {  	v15 =	vld [tilespmem:s1+$0x290];
	v2 =	vadd.f32 v10, v2  }
.Ltmp5:
0x80: {  	v8 =	vld [tilespmem:s1+$0x2A0];
	v3 =	vadd.f32 v11, v3;
	(pc) =	sbr.rel @p1 .LBB2_18-.Ltmp5, $4  }
0x81: {  	v9 =	vld [tilespmem:s1+$0x2B0];
	v4 =	vadd.f32 v12, v4  }
0x82: {  	v10 =	vld [tilespmem:s1+$0x2C0];
	v5 =	vadd.f32 v13, v5  }
0x83: {  	v6 =	vadd.f32 v14, v6;
	v11 =	vld [tilespmem:s1+$0x2D0]  }
0x84: {  	v7 =	vadd.f32 v15, v7;
	v12 =	vld [tilespmem:s1+$0x2E0];
	s1 =	sshra.s32 s17, $0x2;
	s17 =	sadd.s32 $0x200, s17  }
0x85: {  	v13 =	vld [tilespmem:s1+$0x2F0]  }
0x86: {  	v14 =	vld [tilespmem:s1+$0x280]  }
0x87: {  	v15 =	vld [tilespmem:s1+$0x290]  }
0x88: {  	v16 =	vld [tilespmem:s1+$0x2A0]  }
0x89: {  	v17 =	vld [tilespmem:s1+$0x2B0]  }
0x8a: {  	v18 =	vld [tilespmem:s1+$0x2C0]  }
0x8b: {  	v19 =	vld [tilespmem:s1+$0x2D0]  }
0x8c: {  	v20 =	vld [tilespmem:s1+$0x2E0];
	_ =	swait.ge [sflag:s18], $0x4000  }
0x8d: {  	[sflag:s18] =	ssyncset.done $0x0  }
0x8e: {  	s19 =	simm.s32 $0x0;
	[sflag:s18] =	ssyncadd.s32 $0xFFFFC000  }
0x8f: {  	v0 =	vadd.f32 v8, v0;
	v1 =	vadd.f32 v9, v1;
	v21 =	vld [tilespmem:s19+$0x42F0]  }
0x90: {  	v2 =	vadd.f32 v10, v2;
	v3 =	vadd.f32 v11, v3;
	v22 =	vld [tilespmem:s19+$0x4280]  }
0x91: {  	v4 =	vadd.f32 v12, v4;
	v12 =	vld [tilespmem:s19+$0x4290];
	v5 =	vadd.f32 v13, v5  }
0x92: {  	v8 =	vld [tilespmem:s19+$0x42A0];
	v6 =	vadd.f32 v14, v6;
	v7 =	vadd.f32 v15, v7  }
0x93: {  	v9 =	vld [tilespmem:s19+$0x42B0];
	v0 =	vadd.f32 v16, v0;
	v1 =	vadd.f32 v17, v1  }
0x94: {  	v10 =	vld [tilespmem:s19+$0x42C0];
	v2 =	vadd.f32 v18, v2;
	v3 =	vadd.f32 v19, v3  }
0x95: {  	v11 =	vld [tilespmem:s19+$0x42D0];
	v4 =	vadd.f32 v20, v4;
	v5 =	vadd.f32 v21, v5  }
0x96: {  	s1 =	simm.s32 $0x80;
	s17 =	simm.s32 $0x400;
	v6 =	vadd.f32 v22, v6;
	v7 =	vadd.f32 v12, v7;
	v12 =	vld [tilespmem:s19+$0x42E0]  }
.LBB2_20:
0x97: {  	p1 =	sne.s32 s17, $0xFE00;
	v13 =	vld [tilespmem:s1+$0x42F0];
	v0 =	vadd.f32 v8, v0  }
0x98: {  	v14 =	vld [tilespmem:s1+$0x4280];
	v1 =	vadd.f32 v9, v1  }
0x99: {  	v15 =	vld [tilespmem:s1+$0x4290];
	v2 =	vadd.f32 v10, v2  }
.Ltmp6:
0x9a: {  	v8 =	vld [tilespmem:s1+$0x42A0];
	v3 =	vadd.f32 v11, v3;
	(pc) =	sbr.rel @p1 .LBB2_20-.Ltmp6, $4  }
0x9b: {  	v9 =	vld [tilespmem:s1+$0x42B0];
	v4 =	vadd.f32 v12, v4  }
0x9c: {  	v10 =	vld [tilespmem:s1+$0x42C0];
	v5 =	vadd.f32 v13, v5  }
0x9d: {  	v6 =	vadd.f32 v14, v6;
	v11 =	vld [tilespmem:s1+$0x42D0]  }
0x9e: {  	v7 =	vadd.f32 v15, v7;
	v12 =	vld [tilespmem:s1+$0x42E0];
	s1 =	sshra.s32 s17, $0x2;
	s17 =	sadd.s32 $0x200, s17  }
0x9f: {  	v13 =	vld [tilespmem:s1+$0x42F0]  }
0xa0: {  	v14 =	vld [tilespmem:s1+$0x4280]  }
0xa1: {  	v15 =	vld [tilespmem:s1+$0x4290]  }
0xa2: {  	v16 =	vld [tilespmem:s1+$0x42A0]  }
0xa3: {  	v17 =	vld [tilespmem:s1+$0x42B0]  }
0xa4: {  	v18 =	vld [tilespmem:s1+$0x42C0]  }
0xa5: {  	v19 =	vld [tilespmem:s1+$0x42D0]  }
0xa6: {  	v20 =	vld [tilespmem:s1+$0x42E0];
	_ =	swait.ge [sflag:s14], $0x1800  }
0xa7: {  	[sflag:s14] =	ssyncset.done $0x0  }
0xa8: {  	s19 =	simm.s32 $0x0;
	[sflag:s14] =	ssyncadd.s32 $0xFFFFE800  }
0xa9: {  	v0 =	vadd.f32 v8, v0;
	v1 =	vadd.f32 v9, v1;
	v21 =	vld [tilespmem:s19+$0x82F0]  }
0xaa: {  	v10 =	vadd.f32 v10, v2;
	v11 =	vadd.f32 v11, v3;
	v22 =	vld [tilespmem:s19+$0x8280]  }
0xab: {  	v4 =	vadd.f32 v12, v4;
	v12 =	vld [tilespmem:s19+$0x8290];
	v5 =	vadd.f32 v13, v5  }
0xac: {  	v8 =	vld [tilespmem:s19+$0x82A0];
	v6 =	vadd.f32 v14, v6;
	v7 =	vadd.f32 v15, v7  }
0xad: {  	v9 =	vld [tilespmem:s19+$0x82B0];
	v2 =	vadd.f32 v16, v0;
	v0 =	vadd.f32 v17, v1  }
0xae: {  	v3 =	vadd.f32 v18, v10;
	v1 =	vadd.f32 v19, v11;
	v10 =	vld [tilespmem:s19+$0x82C0]  }
0xaf: {  	v11 =	vld [tilespmem:s19+$0x82D0];
	v4 =	vadd.f32 v20, v4;
	v5 =	vadd.f32 v21, v5  }
0xb0: {  	s1 =	simm.s32 $0x80;
	s17 =	simm.s32 $0x400;
	v6 =	vadd.f32 v22, v6;
	v7 =	vadd.f32 v12, v7;
	v12 =	vld [tilespmem:s19+$0x82E0]  }
.LBB2_22:
0xb1: {  	p1 =	sne.s32 s17, $0x5E00;
	v13 =	vld [tilespmem:s1+$0x82F0];
	v2 =	vadd.f32 v8, v2  }
0xb2: {  	v0 =	vadd.f32 v9, v0;
	v14 =	vld [tilespmem:s1+$0x8280]  }
0xb3: {  	v3 =	vadd.f32 v10, v3;
	v15 =	vld [tilespmem:s1+$0x8290]  }
.Ltmp7:
0xb4: {  	v1 =	vadd.f32 v11, v1;
	v8 =	vld [tilespmem:s1+$0x82A0];
	(pc) =	sbr.rel @p1 .LBB2_22-.Ltmp7, $4  }
0xb5: {  	v4 =	vadd.f32 v12, v4;
	v9 =	vld [tilespmem:s1+$0x82B0]  }
0xb6: {  	v10 =	vld [tilespmem:s1+$0x82C0];
	v5 =	vadd.f32 v13, v5  }
0xb7: {  	v6 =	vadd.f32 v14, v6;
	v11 =	vld [tilespmem:s1+$0x82D0]  }
0xb8: {  	v7 =	vadd.f32 v15, v7;
	v12 =	vld [tilespmem:s1+$0x82E0];
	s1 =	sshra.s32 s17, $0x2;
	s17 =	sadd.s32 $0x200, s17  }
.Ltmp8:
0xb9: {  	_ = 	snop;
	(pc) =	sbr.rel .LBB2_23-.Ltmp8, $1  }
0xba: {  	_ =	sdelay $0x3  }
.LBB2_2:
0xbb: {  	[tilespmem:s1], [sflag:$0x3] =	stream.linear.gather [hbm4b:s4+s1], $0x70, $0x38;
	[tilespmem:$0x9B00] =	vst v63  }
0xbc: {  	_ = 	snop  }
0xbd: {  	[tilespmem:s25], [sflag:$0x4] =	stream.linear.gather [hbm4b:s5+s1], $0x160, $0x38;
	[tilespmem:$0x9B00] =	vst v63  }
0xbe: {  	_ =	swait.ge [sflag:s12], $0x70  }
0xbf: {  	[sflag:s12] =	ssyncset.done $0x0  }
0xc0: {  	[sflag:s12] =	ssyncadd.s32 $0xFFFFFF90  }
0xc1: {  	[tilespmem:s13], [sflag:$0x1] =	stream.indirect.gather [hbm4b:s2+s25], $0x80, s1, s25, $0xb8;
	[tilespmem:$0x9B00] =	vst v63  }
0xc2: {  	_ =	swait.ge [sflag:s14], $0x160  }
0xc3: {  	[sflag:s14] =	ssyncset.done $0x0  }
0xc4: {  	[sflag:s14] =	ssyncadd.s32 $0xFFFFFEA0  }
0xc5: {  	[tilespmem:s15], [sflag:$0x2] =	stream.indirect.gather [hbm4b:s2+s25], $0x80, s25, s25, $0xb8;
	[tilespmem:$0x9B00] =	vst v63  }
0xc6: {  	_ =	swait.ge [sflag:s16], $0x3800  }
0xc7: {  	[sflag:s16] =	ssyncset.done $0x0  }
0xc8: {  	s19 =	simm.s32 $0x0;
	[sflag:s16] =	ssyncadd.s32 $0xFFFFC800  }
0xc9: {  	[tilespmem:s13], [sflag:$0x1] =	stream.indirect.gather [hbm4b:s2+s25], $0x80, s26, s25, $0xb8;
	[tilespmem:$0x9B00] =	vst v63  }
0xca: {  	v0 =	vld [tilespmem:s19+$0x2F0]  }
0xcb: {  	v2 =	vld [tilespmem:s19+$0x280]  }
0xcc: {  	v4 =	vld [tilespmem:s19+$0x290]  }
0xcd: {  	v5 =	vld [tilespmem:s19+$0x2A0]  }
0xce: {  	v8 =	vld [tilespmem:s19+$0x2B0]  }
0xcf: {  	v3 =	vimm.f32 $0.0e+00;
	v9 =	vimm.f32 $0.0e+00;
	v6 =	vld [tilespmem:s19+$0x2C0]  }
0xd0: {  	v10 =	vimm.f32 $0.0e+00;
	v7 =	vimm.f32 $0.0e+00;
	v11 =	vld [tilespmem:s19+$0x2D0];
	v1 =	vadd.f32 v0, v3  }
0xd1: {  	s17 =	simm.s32 $0x400;
	s1 =	simm.s32 $0x80;
	v12 =	vld [tilespmem:s19+$0x2E0];
	v0 =	vadd.f32 v2, v3;
	v2 =	vadd.f32 v4, v3;
	v4 =	vimm.f32 $0.0e+00  }
.LBB2_3:
0xd2: {  	p1 =	sne.s32 s17, $0xDE00;
	v13 =	vld [tilespmem:s1+$0x2F0];
	v3 =	vadd.f32 v5, v3  }
0xd3: {  	v14 =	vld [tilespmem:s1+$0x280];
	v4 =	vadd.f32 v8, v4  }
0xd4: {  	v15 =	vld [tilespmem:s1+$0x290];
	v9 =	vadd.f32 v6, v9  }
.Ltmp9:
0xd5: {  	v5 =	vld [tilespmem:s1+$0x2A0];
	v10 =	vadd.f32 v11, v10;
	(pc) =	sbr.rel @p1 .LBB2_3-.Ltmp9, $4  }
0xd6: {  	v8 =	vld [tilespmem:s1+$0x2B0];
	v7 =	vadd.f32 v12, v7  }
0xd7: {  	v6 =	vld [tilespmem:s1+$0x2C0];
	v1 =	vadd.f32 v13, v1  }
0xd8: {  	v0 =	vadd.f32 v14, v0;
	v11 =	vld [tilespmem:s1+$0x2D0]  }
0xd9: {  	v2 =	vadd.f32 v15, v2;
	v12 =	vld [tilespmem:s1+$0x2E0];
	s1 =	sshra.s32 s17, $0x2;
	s17 =	sadd.s32 $0x200, s17  }
0xda: {  	v13 =	vld [tilespmem:s1+$0x2F0]  }
0xdb: {  	v14 =	vld [tilespmem:s1+$0x280]  }
0xdc: {  	v15 =	vld [tilespmem:s1+$0x290]  }
0xdd: {  	v16 =	vld [tilespmem:s1+$0x2A0]  }
0xde: {  	v17 =	vld [tilespmem:s1+$0x2B0]  }
0xdf: {  	v18 =	vld [tilespmem:s1+$0x2C0]  }
0xe0: {  	v19 =	vld [tilespmem:s1+$0x2D0]  }
0xe1: {  	v20 =	vld [tilespmem:s1+$0x2E0];
	_ =	swait.ge [sflag:s18], $0x3800  }
0xe2: {  	[sflag:s18] =	ssyncset.done $0x0  }
0xe3: {  	s19 =	simm.s32 $0x0;
	[sflag:s18] =	ssyncadd.s32 $0xFFFFC800  }
0xe4: {  	[tilespmem:s15], [sflag:$0x2] =	stream.indirect.gather [hbm4b:s2+s28], $0x80, s29, s28, $0xb8;
	[tilespmem:$0x9B00] =	vst v63  }
0xe5: {  	v3 =	vadd.f32 v5, v3;
	v4 =	vadd.f32 v8, v4;
	v5 =	vld [tilespmem:s19+$0x42F0]  }
0xe6: {  	v6 =	vadd.f32 v6, v9;
	v10 =	vadd.f32 v11, v10;
	v21 =	vld [tilespmem:s19+$0x4280]  }
0xe7: {  	v7 =	vadd.f32 v12, v7;
	v12 =	vld [tilespmem:s19+$0x4290];
	v11 =	vadd.f32 v13, v1  }
0xe8: {  	v8 =	vld [tilespmem:s19+$0x42A0];
	v13 =	vadd.f32 v14, v0;
	v14 =	vadd.f32 v15, v2  }
0xe9: {  	v9 =	vld [tilespmem:s19+$0x42B0];
	v0 =	vadd.f32 v16, v3;
	v1 =	vadd.f32 v17, v4  }
0xea: {  	v2 =	vadd.f32 v18, v6;
	v3 =	vadd.f32 v19, v10;
	v10 =	vld [tilespmem:s19+$0x42C0]  }
0xeb: {  	v4 =	vadd.f32 v20, v7;
	v5 =	vadd.f32 v5, v11;
	v11 =	vld [tilespmem:s19+$0x42D0]  }
0xec: {  	s1 =	simm.s32 $0x80;
	s17 =	simm.s32 $0x400;
	v6 =	vadd.f32 v21, v13;
	v7 =	vadd.f32 v12, v14;
	v12 =	vld [tilespmem:s19+$0x42E0]  }
.LBB2_5:
0xed: {  	p1 =	sne.s32 s17, $0xDE00;
	v13 =	vld [tilespmem:s1+$0x42F0];
	v0 =	vadd.f32 v8, v0  }
0xee: {  	v14 =	vld [tilespmem:s1+$0x4280];
	v1 =	vadd.f32 v9, v1  }
0xef: {  	v15 =	vld [tilespmem:s1+$0x4290];
	v2 =	vadd.f32 v10, v2  }
.Ltmp10:
0xf0: {  	v8 =	vld [tilespmem:s1+$0x42A0];
	v3 =	vadd.f32 v11, v3;
	(pc) =	sbr.rel @p1 .LBB2_5-.Ltmp10, $4  }
0xf1: {  	v9 =	vld [tilespmem:s1+$0x42B0];
	v4 =	vadd.f32 v12, v4  }
0xf2: {  	v10 =	vld [tilespmem:s1+$0x42C0];
	v5 =	vadd.f32 v13, v5  }
0xf3: {  	v6 =	vadd.f32 v14, v6;
	v11 =	vld [tilespmem:s1+$0x42D0]  }
0xf4: {  	v7 =	vadd.f32 v15, v7;
	v12 =	vld [tilespmem:s1+$0x42E0];
	s1 =	sshra.s32 s17, $0x2;
	s17 =	sadd.s32 $0x200, s17  }
0xf5: {  	v13 =	vld [tilespmem:s1+$0x42F0]  }
0xf6: {  	v14 =	vld [tilespmem:s1+$0x4280]  }
0xf7: {  	v15 =	vld [tilespmem:s1+$0x4290]  }
0xf8: {  	v16 =	vld [tilespmem:s1+$0x42A0]  }
0xf9: {  	v17 =	vld [tilespmem:s1+$0x42B0]  }
0xfa: {  	v18 =	vld [tilespmem:s1+$0x42C0]  }
0xfb: {  	v19 =	vld [tilespmem:s1+$0x42D0]  }
0xfc: {  	v20 =	vld [tilespmem:s1+$0x42E0];
	_ =	swait.ge [sflag:s16], $0x3800  }
0xfd: {  	[sflag:s16] =	ssyncset.done $0x0  }
0xfe: {  	s19 =	simm.s32 $0x0;
	[sflag:s16] =	ssyncadd.s32 $0xFFFFC800  }
0xff: {  	[tilespmem:s22], [sflag:$0x4] =	stream.indirect.gather [hbm4b:s2+s30], $0x80, s31, s30, $0xb8;
	[tilespmem:$0x9B00] =	vst v63  }
0x100: {  	v0 =	vadd.f32 v8, v0;
	v1 =	vadd.f32 v9, v1;
	v21 =	vld [tilespmem:s19+$0x2F0]  }
0x101: {  	v2 =	vadd.f32 v10, v2;
	v3 =	vadd.f32 v11, v3;
	v22 =	vld [tilespmem:s19+$0x280]  }
0x102: {  	v4 =	vadd.f32 v12, v4;
	v12 =	vld [tilespmem:s19+$0x290];
	v5 =	vadd.f32 v13, v5  }
0x103: {  	v8 =	vld [tilespmem:s19+$0x2A0];
	v6 =	vadd.f32 v14, v6;
	v7 =	vadd.f32 v15, v7  }
0x104: {  	v9 =	vld [tilespmem:s19+$0x2B0];
	v0 =	vadd.f32 v16, v0;
	v1 =	vadd.f32 v17, v1  }
0x105: {  	v10 =	vld [tilespmem:s19+$0x2C0];
	v2 =	vadd.f32 v18, v2;
	v3 =	vadd.f32 v19, v3  }
0x106: {  	v11 =	vld [tilespmem:s19+$0x2D0];
	v4 =	vadd.f32 v20, v4;
	v5 =	vadd.f32 v21, v5  }
0x107: {  	s1 =	simm.s32 $0x80;
	s17 =	simm.s32 $0x400;
	v6 =	vadd.f32 v22, v6;
	v7 =	vadd.f32 v12, v7;
	v12 =	vld [tilespmem:s19+$0x2E0]  }
.LBB2_7:
0x108: {  	p1 =	sne.s32 s17, $0xDE00;
	v13 =	vld [tilespmem:s1+$0x2F0];
	v0 =	vadd.f32 v8, v0  }
0x109: {  	v14 =	vld [tilespmem:s1+$0x280];
	v1 =	vadd.f32 v9, v1  }
0x10a: {  	v15 =	vld [tilespmem:s1+$0x290];
	v2 =	vadd.f32 v10, v2  }
.Ltmp11:
0x10b: {  	v8 =	vld [tilespmem:s1+$0x2A0];
	v3 =	vadd.f32 v11, v3;
	(pc) =	sbr.rel @p1 .LBB2_7-.Ltmp11, $4  }
0x10c: {  	v9 =	vld [tilespmem:s1+$0x2B0];
	v4 =	vadd.f32 v12, v4  }
0x10d: {  	v10 =	vld [tilespmem:s1+$0x2C0];
	v5 =	vadd.f32 v13, v5  }
0x10e: {  	v6 =	vadd.f32 v14, v6;
	v11 =	vld [tilespmem:s1+$0x2D0]  }
0x10f: {  	v7 =	vadd.f32 v15, v7;
	v12 =	vld [tilespmem:s1+$0x2E0];
	s1 =	sshra.s32 s17, $0x2;
	s17 =	sadd.s32 $0x200, s17  }
0x110: {  	v13 =	vld [tilespmem:s1+$0x2F0]  }
0x111: {  	v14 =	vld [tilespmem:s1+$0x280]  }
0x112: {  	v15 =	vld [tilespmem:s1+$0x290]  }
0x113: {  	v16 =	vld [tilespmem:s1+$0x2A0]  }
0x114: {  	v17 =	vld [tilespmem:s1+$0x2B0]  }
0x115: {  	v18 =	vld [tilespmem:s1+$0x2C0]  }
0x116: {  	v19 =	vld [tilespmem:s1+$0x2D0]  }
0x117: {  	v20 =	vld [tilespmem:s1+$0x2E0];
	_ =	swait.ge [sflag:s18], $0x3000  }
0x118: {  	[sflag:s18] =	ssyncset.done $0x0  }
0x119: {  	s19 =	simm.s32 $0x0;
	[sflag:s18] =	ssyncadd.s32 $0xFFFFD000  }
0x11a: {  	v0 =	vadd.f32 v8, v0;
	v1 =	vadd.f32 v9, v1;
	v21 =	vld [tilespmem:s19+$0x42F0]  }
0x11b: {  	v2 =	vadd.f32 v10, v2;
	v3 =	vadd.f32 v11, v3;
	v22 =	vld [tilespmem:s19+$0x4280]  }
0x11c: {  	v4 =	vadd.f32 v12, v4;
	v12 =	vld [tilespmem:s19+$0x4290];
	v5 =	vadd.f32 v13, v5  }
0x11d: {  	v8 =	vld [tilespmem:s19+$0x42A0];
	v6 =	vadd.f32 v14, v6;
	v7 =	vadd.f32 v15, v7  }
0x11e: {  	v9 =	vld [tilespmem:s19+$0x42B0];
	v0 =	vadd.f32 v16, v0;
	v1 =	vadd.f32 v17, v1  }
0x11f: {  	v10 =	vld [tilespmem:s19+$0x42C0];
	v2 =	vadd.f32 v18, v2;
	v3 =	vadd.f32 v19, v3  }
0x120: {  	v11 =	vld [tilespmem:s19+$0x42D0];
	v4 =	vadd.f32 v20, v4;
	v5 =	vadd.f32 v21, v5  }
0x121: {  	s1 =	simm.s32 $0x80;
	s17 =	simm.s32 $0x400;
	v6 =	vadd.f32 v22, v6;
	v7 =	vadd.f32 v12, v7;
	v12 =	vld [tilespmem:s19+$0x42E0]  }
.LBB2_9:
0x122: {  	p1 =	sne.s32 s17, $0xBE00;
	v13 =	vld [tilespmem:s1+$0x42F0];
	v0 =	vadd.f32 v8, v0  }
0x123: {  	v14 =	vld [tilespmem:s1+$0x4280];
	v1 =	vadd.f32 v9, v1  }
0x124: {  	v15 =	vld [tilespmem:s1+$0x4290];
	v2 =	vadd.f32 v10, v2  }
.Ltmp12:
0x125: {  	v8 =	vld [tilespmem:s1+$0x42A0];
	v3 =	vadd.f32 v11, v3;
	(pc) =	sbr.rel @p1 .LBB2_9-.Ltmp12, $4  }
0x126: {  	v9 =	vld [tilespmem:s1+$0x42B0];
	v4 =	vadd.f32 v12, v4  }
0x127: {  	v10 =	vld [tilespmem:s1+$0x42C0];
	v5 =	vadd.f32 v13, v5  }
0x128: {  	v6 =	vadd.f32 v14, v6;
	v11 =	vld [tilespmem:s1+$0x42D0]  }
0x129: {  	v7 =	vadd.f32 v15, v7;
	v12 =	vld [tilespmem:s1+$0x42E0];
	s1 =	sshra.s32 s17, $0x2;
	s17 =	sadd.s32 $0x200, s17  }
0x12a: {  	v13 =	vld [tilespmem:s1+$0x42F0]  }
0x12b: {  	v14 =	vld [tilespmem:s1+$0x4280]  }
0x12c: {  	v15 =	vld [tilespmem:s1+$0x4290]  }
0x12d: {  	v16 =	vld [tilespmem:s1+$0x42A0]  }
0x12e: {  	v17 =	vld [tilespmem:s1+$0x42B0]  }
0x12f: {  	v18 =	vld [tilespmem:s1+$0x42C0]  }
0x130: {  	v19 =	vld [tilespmem:s1+$0x42D0]  }
0x131: {  	v20 =	vld [tilespmem:s1+$0x42E0];
	_ =	swait.ge [sflag:s14], $0x1000  }
0x132: {  	[sflag:s14] =	ssyncset.done $0x0  }
0x133: {  	s19 =	simm.s32 $0x0;
	[sflag:s14] =	ssyncadd.s32 $0xFFFFF000  }
0x134: {  	v0 =	vadd.f32 v8, v0;
	v1 =	vadd.f32 v9, v1;
	v21 =	vld [tilespmem:s19+$0x82F0]  }
0x135: {  	v10 =	vadd.f32 v10, v2;
	v11 =	vadd.f32 v11, v3;
	v22 =	vld [tilespmem:s19+$0x8280]  }
0x136: {  	v4 =	vadd.f32 v12, v4;
	v12 =	vld [tilespmem:s19+$0x8290];
	v5 =	vadd.f32 v13, v5  }
0x137: {  	v8 =	vld [tilespmem:s19+$0x82A0];
	v6 =	vadd.f32 v14, v6;
	v7 =	vadd.f32 v15, v7  }
0x138: {  	v9 =	vld [tilespmem:s19+$0x82B0];
	v2 =	vadd.f32 v16, v0;
	v0 =	vadd.f32 v17, v1  }
0x139: {  	v3 =	vadd.f32 v18, v10;
	v1 =	vadd.f32 v19, v11;
	v10 =	vld [tilespmem:s19+$0x82C0]  }
0x13a: {  	v11 =	vld [tilespmem:s19+$0x82D0];
	v4 =	vadd.f32 v20, v4;
	v5 =	vadd.f32 v21, v5  }
0x13b: {  	s1 =	simm.s32 $0x80;
	s17 =	simm.s32 $0x400;
	v6 =	vadd.f32 v22, v6;
	v7 =	vadd.f32 v12, v7;
	v12 =	vld [tilespmem:s19+$0x82E0]  }
.LBB2_11:
0x13c: {  	p1 =	seq.s32 s17, $0x3E00;
	v13 =	vld [tilespmem:s1+$0x82F0];
	v2 =	vadd.f32 v8, v2  }
0x13d: {  	v14 =	vld [tilespmem:s1+$0x8280];
	v0 =	vadd.f32 v9, v0  }
0x13e: {  	v15 =	vld [tilespmem:s1+$0x8290];
	v3 =	vadd.f32 v10, v3  }
.Ltmp13:
0x13f: {  	v8 =	vld [tilespmem:s1+$0x82A0];
	v1 =	vadd.f32 v11, v1;
	(pc) =	sbr.rel @!p1 .LBB2_11-.Ltmp13, $4  }
0x140: {  	v9 =	vld [tilespmem:s1+$0x82B0];
	v4 =	vadd.f32 v12, v4  }
0x141: {  	v10 =	vld [tilespmem:s1+$0x82C0];
	v5 =	vadd.f32 v13, v5  }
0x142: {  	v6 =	vadd.f32 v14, v6;
	v11 =	vld [tilespmem:s1+$0x82D0]  }
0x143: {  	v7 =	vadd.f32 v15, v7;
	v12 =	vld [tilespmem:s1+$0x82E0];
	s1 =	sshra.s32 s17, $0x2;
	s17 =	sadd.s32 $0x200, s17  }
0x144: {  	v13 =	vld [tilespmem:s1+$0x82F0]  }
0x145: {  	v14 =	vld [tilespmem:s1+$0x8280]  }
0x146: {  	v15 =	vld [tilespmem:s1+$0x8290]  }
0x147: {  	v16 =	vld [tilespmem:s1+$0x82A0]  }
0x148: {  	v17 =	vld [tilespmem:s1+$0x82B0]  }
0x149: {  	v18 =	vld [tilespmem:s1+$0x82C0]  }
0x14a: {  	v8 =	vadd.f32 v8, v2;
	v19 =	vld [tilespmem:s1+$0x82D0]  }
0x14b: {  	v20 =	vld [tilespmem:s1+$0x82E0];
	v9 =	vadd.f32 v9, v0;
	v10 =	vadd.f32 v10, v3  }
.Ltmp14:
0x14c: {  	v11 =	vadd.f32 v11, v1;
	v12 =	vadd.f32 v12, v4;
	(pc) =	sbr.rel .LBB2_24-.Ltmp14, $4  }
0x14d: {  	v0 =	vadd.f32 v13, v5;
	v1 =	vadd.f32 v14, v6  }
0x14e: {  	v2 =	vadd.f32 v15, v7;
	v3 =	vadd.f32 v16, v8  }
0x14f: {  	v4 =	vadd.f32 v17, v9;
	v5 =	vadd.f32 v18, v10  }
0x150: {  	s1 =	smov.u32 s6;
	v6 =	vadd.f32 v19, v11;
	v7 =	vadd.f32 v20, v12  }
.LBB2_25:
0x151: {  	_ =	sfence.sel $0x180000  }
0x152: {  	[bflag:$0x0] =	sbarrier.arrive $0xFFFF  }
0x153: {  	_ =	strace $0x90000047  }
0x154: {  	s0 =	stileid.u32;
	[bflag:$0x2] =	sbarrier.arrive $0xFFFF  }
0x155: {  	p0 =	sne.s32 s0, $0x0;
	s0 =	rddreg [dreg:$0x3]  }
0x156: {  	s0 =	sadd.s32 @!p0 $0x100000, s0  }
0x157: {  	[sflag:s0] =	ssyncadd.tile.s32 @!p0 $0x1;
	_ =	shalt  }
.Lfunc_end2:
_tile_overlayer_lowered:
.L_overlay_start_2:
0x158: {  	(tag) =	ssettag $0x2  }
0x159: {  	s0 =	rddreg [dreg:$0x0];
	s2 =	stileid.u32  }
0x15a: {  	s1 =	rddreg [dreg:$0x1];
	p0 =	sne.s32 s2, $0x0  }
0x15b: {  	s3 =	rddreg [dreg:$0x2];
	[bflag:$0x3] =	sbarrier.arrive $0xFFFF;
	s2 =	simm.s32 @!p0 $0x1C05  }
0x15c: {  	[timem:s3], [sflag:s2] =	dma.local @!p0 [hbm:s0], s1  }
0x15d: {  	s0 =	simm.s32 @!p0 $0x5  }
0x15e: {  	_ =	swait.ge @!p0 [sflag:s0], s1  }
0x15f: {  	s1 =	ssub.s32 @!p0 $0x0, s1;
	[sflag:s0] =	ssyncset.done @!p0 $0x0  }
0x160: {  	[sflag:s0] =	ssyncadd.s32 @!p0 s1  }
0x161: {  	[bflag:$0x3] =	sbarrier.arrive $0xFFFF  }
0x162: {  	_ =	shalt  }

</sc_bundles>
